<compile_context>
chip_gen: v7x
topology: tpu7x:2x2x1
jax: 0.10.2.dev20260603
libtpu: 0.0.44.dev20260713+nightly
codegen_flags: <defaults>
</compile_context>

<pallas_src>
import math

import jax
import jax.numpy as jnp
from jax import lax
from jax.experimental import pallas as pl
from jax.experimental.pallas import tpu as pltpu
from jax.experimental.pallas import tpu_sc as plsc

D_MODEL = 64
SCALE = math.sqrt(D_MODEL)

NUM_CORES = 2
NUM_SUBCORES = 16
NUM_WORKERS = NUM_CORES * NUM_SUBCORES
LANES = 16

NBUF = 4


def _gather_kernel(x_hbm, t3_hbm, out_hbm, idxblk, idxcol, rows, tbuf,
                   gsems, osems):
    wid = lax.axis_index("s") * NUM_CORES + lax.axis_index("c")
    batch, seq = x_hbm.shape
    b0 = wid * 128

    pltpu.sync_copy(x_hbm.at[pl.ds(b0, 128)], idxblk)

    def build_idx(s, b):
        cols = jnp.full((LANES,), s, jnp.int32)
        for j in range(128 // LANES):
            r = jax.lax.iota(jnp.int32, LANES) + (j * LANES)
            idxcol[b][pl.ds(j * LANES, LANES)] = plsc.load_gather(
                idxblk, [r, cols]
            )

    def gather(b):
        pltpu.async_copy(t3_hbm.at[idxcol[b]], rows[b], gsems[b])

    def gather_wait(b):
        pltpu.make_async_copy(t3_hbm.at[idxcol[b]], rows[b], gsems[b]).wait()

    def writeback(s, b):
        pltpu.async_copy(
            tbuf[b].at[:, :, pl.ds(0, 128)], out_hbm.at[s, :, wid], osems[b]
        )

    def writeback_wait(b):
        pltpu.make_async_copy(
            tbuf[b].at[:, :, pl.ds(0, 128)], out_hbm.at[0, :, wid], osems[b]
        ).wait()

    build_idx(0, 0)
    gather(0)

    def group(g, _):
        for b in range(NBUF):
            s = g * NBUF + b
            b1 = (b + 1) % NBUF

            @pl.when(s >= NBUF - 1)
            def _():
                writeback_wait(b1)

            @pl.when(s + 1 < seq)
            def _():
                build_idx(s + 1, b1)
                gather(b1)

            gather_wait(b)

            @plsc.parallel_loop(0, 128, step=1, unroll=4)
            def _(t):
                cols = jnp.full((LANES,), t, jnp.int32)
                for j in range(D_MODEL // LANES):
                    v = rows[b][t, pl.ds(j * LANES, LANES)] * SCALE
                    d = jax.lax.iota(jnp.int32, LANES) + (j * LANES)
                    plsc.store_scatter(
                        tbuf[b],
                        [jax.lax.shift_right_logical(d, 3), d & 7, cols],
                        v,
                    )

            writeback(s, b)
        return 0

    lax.fori_loop(0, seq // NBUF, group, 0)

    for k in range(1, NBUF):
        writeback_wait((seq - k) % NBUF)


def kernel(x, table):
    batch, seq = x.shape

    mesh = plsc.VectorSubcoreMesh(core_axis_name="c", subcore_axis_name="s")
    run = pl.kernel(
        _gather_kernel,
        out_type=jax.ShapeDtypeStruct((seq, 8, NUM_WORKERS, 8, 128), jnp.float32),
        mesh=mesh,
        scratch_types=[
            pltpu.VMEM((128, seq), jnp.int32),
            [pltpu.VMEM((128,), jnp.int32) for _ in range(NBUF)],
            [pltpu.VMEM((128, D_MODEL), jnp.float32) for _ in range(NBUF)],
            [pltpu.VMEM((8, 8, 129), jnp.float32) for _ in range(NBUF)],
            [pltpu.SemaphoreType.DMA for _ in range(NBUF)],
            [pltpu.SemaphoreType.DMA for _ in range(NBUF)],
        ],
        compiler_params=pltpu.CompilerParams(
            use_tc_tiling_on_sc=False, needs_layout_passes=False
        ),
    )

    out5 = run(x, table)
    return out5.transpose(2, 4, 0, 1, 3).reshape(batch, seq, D_MODEL)

# --- scband reference (transcript-rebuilt; emitter-appended) ---
"""Pipeline reference for scband-input-embeddings-7962869367332 (READ-ONLY COPY).

The authoritative reference and input builder live on the scoring server;
editing this copy changes nothing except your own understanding.
"""

import jax, jax.numpy as jnp
import numpy as np
import math

D_MODEL = 64
VOCAB_SIZE = 1000000

def setup_inputs(seed: int = 0) -> dict:
    key = jax.random.key(seed)
    k1, k2 = jax.random.split(key)
    x = jax.random.randint(k1, (4096, 200), 0, VOCAB_SIZE, dtype=jnp.int64 if jax.config.jax_enable_x64 else jnp.int32)
    table = jax.random.normal(k2, (VOCAB_SIZE, D_MODEL), dtype=jnp.float32)
    return {"x": x, "table": table}

def reference(x, table):
    # nn.Embedding lookup followed by scaling by sqrt(d_model)
    emb = jnp.take(table, x, axis=0)
    return emb * math.sqrt(D_MODEL)

if __name__ == "__main__":
    import jax
    _d = setup_inputs()
    print(jax.jit(kernel)(*tuple(_d.values())))

</pallas_src>

<mosaic_0001>
#map = affine_map<(d0, d1) -> (0, 0)>
#map1 = affine_map<(d0, d1) -> (0, 0, 0, 0, 0)>
module attributes {stable_mosaic.version = 14 : i64} {
  func.func @_gather_kernel(%arg0: i32, %arg1: i32, %arg2: memref<4096x200xi32, #tpu.memory_space<hbm>>, %arg3: memref<1000000x64xf32, #tpu.memory_space<hbm>>, %arg4: memref<200x8x32x8x128xf32, #tpu.memory_space<hbm>>, %arg5: memref<128x200xi32, #tpu.memory_space<vmem>>, %arg6: memref<128xi32, #tpu.memory_space<vmem>>, %arg7: memref<128xi32, #tpu.memory_space<vmem>>, %arg8: memref<128xi32, #tpu.memory_space<vmem>>, %arg9: memref<128xi32, #tpu.memory_space<vmem>>, %arg10: memref<128x64xf32, #tpu.memory_space<vmem>>, %arg11: memref<128x64xf32, #tpu.memory_space<vmem>>, %arg12: memref<128x64xf32, #tpu.memory_space<vmem>>, %arg13: memref<128x64xf32, #tpu.memory_space<vmem>>, %arg14: memref<8x8x129xf32, #tpu.memory_space<vmem>>, %arg15: memref<8x8x129xf32, #tpu.memory_space<vmem>>, %arg16: memref<8x8x129xf32, #tpu.memory_space<vmem>>, %arg17: memref<8x8x129xf32, #tpu.memory_space<vmem>>, %arg18: memref<!tpu.dma_semaphore, #tpu.memory_space<semaphore_mem>>, %arg19: memref<!tpu.dma_semaphore, #tpu.memory_space<semaphore_mem>>, %arg20: memref<!tpu.dma_semaphore, #tpu.memory_space<semaphore_mem>>, %arg21: memref<!tpu.dma_semaphore, #tpu.memory_space<semaphore_mem>>, %arg22: memref<!tpu.dma_semaphore, #tpu.memory_space<semaphore_mem>>, %arg23: memref<!tpu.dma_semaphore, #tpu.memory_space<semaphore_mem>>, %arg24: memref<!tpu.dma_semaphore, #tpu.memory_space<semaphore_mem>>, %arg25: memref<!tpu.dma_semaphore, #tpu.memory_space<semaphore_mem>>) attributes {dimension_semantics = [#tpu.dimension_semantics<core_parallel>, #tpu.dimension_semantics<subcore_parallel>], iteration_bounds = array<i64: 2, 16>, scalar_prefetch = 0 : i64, scratch_operands = 21 : i64, tpu.core_type = #tpu.core_type<sc_vector_subcore>, window_params = [{transform_indices = #map}, {transform_indices = #map}, {transform_indices = #map1}]} {
    %mul3A = arith.constant 2 : i32
    %mul3A_0 = arith.muli %arg1, %mul3A : i32
    %add3A = arith.addi %mul3A_0, %arg0 : i32
    %mul3A_1 = arith.constant 128 : i32
    %mul3A_2 = arith.muli %add3A, %mul3A_1 : i32
    "tpu.region"() ({
      %run_scoped3A = tpu.sem_alloc : memref<!tpu.dma_semaphore, #tpu.memory_space<semaphore_mem>>
      %dma_start3A_121 = arith.constant 0 : i32
      %dma_start3A_122 = tpu.memref_slice %arg2[%mul3A_2, %dma_start3A_121] : memref<4096x200xi32, #tpu.memory_space<hbm>> -> memref<128x200xi32, #tpu.memory_space<hbm>>
      %dma_start3A_123 = arith.constant 0 : i32
      %dma_start3A_124 = tpu.memref_slice %arg2[%mul3A_2, %dma_start3A_123] : memref<4096x200xi32, #tpu.memory_space<hbm>> -> memref<128x200xi32, #tpu.memory_space<hbm>>
      tpu.enqueue_dma source(%dma_start3A_124 : memref<128x200xi32, #tpu.memory_space<hbm>>) target(%arg5 : memref<128x200xi32, #tpu.memory_space<vmem>>) target_semaphore(%run_scoped3A : memref<!tpu.dma_semaphore, #tpu.memory_space<semaphore_mem>>)
      %dma_wait3A_125 = arith.constant 0 : i32
      %dma_wait3A_126 = tpu.memref_slice %arg2[%mul3A_2, %dma_wait3A_125] : memref<4096x200xi32, #tpu.memory_space<hbm>> -> memref<128x200xi32, #tpu.memory_space<hbm>>
      %dma_wait3A_127 = arith.constant 0 : i32
      %dma_wait3A_128 = tpu.memref_slice %arg2[%mul3A_2, %dma_wait3A_127] : memref<4096x200xi32, #tpu.memory_space<hbm>> -> memref<128x200xi32, #tpu.memory_space<hbm>>
      tpu.wait_dma2 semaphore(%run_scoped3A : memref<!tpu.dma_semaphore, #tpu.memory_space<semaphore_mem>>) src(%dma_wait3A_128 : memref<128x200xi32, #tpu.memory_space<hbm>>) dst(%arg5 : memref<128x200xi32, #tpu.memory_space<vmem>>)
      tpu.yield
    }) : () -> ()
    %broadcast_in_dim3A = arith.constant 0 : i32
    %broadcast_in_dim3A_3 = vector.broadcast %broadcast_in_dim3A : i32 to vector<16xi32>
    %iota3A = tpu.iota {dimensions = array<i32: 0>} : vector<16xi32>
    %add3A_4 = arith.constant 0 : i32
    %add3A_5 = vector.broadcast %add3A_4 : i32 to vector<16xi32>
    %add3A_6 = arith.addi %iota3A, %add3A_5 : vector<16xi32>
    %gather3A = tpu.vector_load_idx %arg5[%add3A_6, %broadcast_in_dim3A_3] : memref<128x200xi32, #tpu.memory_space<vmem>>[vector<16xi32>, vector<16xi32>], vector<16xi32>,
    %swap3A = arith.constant 0 : index
    %swap3A_7 = tpu.vector_load %arg6[%swap3A] {strides = array<i32>} : memref<128xi32, #tpu.memory_space<vmem>>, vector<16xi32>,
    tpu.vector_store %arg6[%swap3A], %gather3A {strides = array<i32>} : memref<128xi32, #tpu.memory_space<vmem>>, vector<16xi32>,
    %iota3A_8 = tpu.iota {dimensions = array<i32: 0>} : vector<16xi32>
    %add3A_9 = arith.constant 16 : i32
    %add3A_10 = vector.broadcast %add3A_9 : i32 to vector<16xi32>
    %add3A_11 = arith.addi %iota3A_8, %add3A_10 : vector<16xi32>
    %gather3A_12 = tpu.vector_load_idx %arg5[%add3A_11, %broadcast_in_dim3A_3] : memref<128x200xi32, #tpu.memory_space<vmem>>[vector<16xi32>, vector<16xi32>], vector<16xi32>,
    %swap3A_13 = arith.constant 16 : index
    %swap3A_14 = tpu.vector_load %arg6[%swap3A_13] {strides = array<i32>} : memref<128xi32, #tpu.memory_space<vmem>>, vector<16xi32>,
    tpu.vector_store %arg6[%swap3A_13], %gather3A_12 {strides = array<i32>} : memref<128xi32, #tpu.memory_space<vmem>>, vector<16xi32>,
    %iota3A_15 = tpu.iota {dimensions = array<i32: 0>} : vector<16xi32>
    %add3A_16 = arith.constant 32 : i32
    %add3A_17 = vector.broadcast %add3A_16 : i32 to vector<16xi32>
    %add3A_18 = arith.addi %iota3A_15, %add3A_17 : vector<16xi32>
    %gather3A_19 = tpu.vector_load_idx %arg5[%add3A_18, %broadcast_in_dim3A_3] : memref<128x200xi32, #tpu.memory_space<vmem>>[vector<16xi32>, vector<16xi32>], vector<16xi32>,
    %swap3A_20 = arith.constant 32 : index
    %swap3A_21 = tpu.vector_load %arg6[%swap3A_20] {strides = array<i32>} : memref<128xi32, #tpu.memory_space<vmem>>, vector<16xi32>,
    tpu.vector_store %arg6[%swap3A_20], %gather3A_19 {strides = array<i32>} : memref<128xi32, #tpu.memory_space<vmem>>, vector<16xi32>,
    %iota3A_22 = tpu.iota {dimensions = array<i32: 0>} : vector<16xi32>
    %add3A_23 = arith.constant 48 : i32
    %add3A_24 = vector.broadcast %add3A_23 : i32 to vector<16xi32>
    %add3A_25 = arith.addi %iota3A_22, %add3A_24 : vector<16xi32>
    %gather3A_26 = tpu.vector_load_idx %arg5[%add3A_25, %broadcast_in_dim3A_3] : memref<128x200xi32, #tpu.memory_space<vmem>>[vector<16xi32>, vector<16xi32>], vector<16xi32>,
    %swap3A_27 = arith.constant 48 : index
    %swap3A_28 = tpu.vector_load %arg6[%swap3A_27] {strides = array<i32>} : memref<128xi32, #tpu.memory_space<vmem>>, vector<16xi32>,
    tpu.vector_store %arg6[%swap3A_27], %gather3A_26 {strides = array<i32>} : memref<128xi32, #tpu.memory_space<vmem>>, vector<16xi32>,
    %iota3A_29 = tpu.iota {dimensions = array<i32: 0>} : vector<16xi32>
    %add3A_30 = arith.constant 64 : i32
    %add3A_31 = vector.broadcast %add3A_30 : i32 to vector<16xi32>
    %add3A_32 = arith.addi %iota3A_29, %add3A_31 : vector<16xi32>
    %gather3A_33 = tpu.vector_load_idx %arg5[%add3A_32, %broadcast_in_dim3A_3] : memref<128x200xi32, #tpu.memory_space<vmem>>[vector<16xi32>, vector<16xi32>], vector<16xi32>,
    %swap3A_34 = arith.constant 64 : index
    %swap3A_35 = tpu.vector_load %arg6[%swap3A_34] {strides = array<i32>} : memref<128xi32, #tpu.memory_space<vmem>>, vector<16xi32>,
    tpu.vector_store %arg6[%swap3A_34], %gather3A_33 {strides = array<i32>} : memref<128xi32, #tpu.memory_space<vmem>>, vector<16xi32>,
    %iota3A_36 = tpu.iota {dimensions = array<i32: 0>} : vector<16xi32>
    %add3A_37 = arith.constant 80 : i32
    %add3A_38 = vector.broadcast %add3A_37 : i32 to vector<16xi32>
    %add3A_39 = arith.addi %iota3A_36, %add3A_38 : vector<16xi32>
    %gather3A_40 = tpu.vector_load_idx %arg5[%add3A_39, %broadcast_in_dim3A_3] : memref<128x200xi32, #tpu.memory_space<vmem>>[vector<16xi32>, vector<16xi32>], vector<16xi32>,
    %swap3A_41 = arith.constant 80 : index
    %swap3A_42 = tpu.vector_load %arg6[%swap3A_41] {strides = array<i32>} : memref<128xi32, #tpu.memory_space<vmem>>, vector<16xi32>,
    tpu.vector_store %arg6[%swap3A_41], %gather3A_40 {strides = array<i32>} : memref<128xi32, #tpu.memory_space<vmem>>, vector<16xi32>,
    %iota3A_43 = tpu.iota {dimensions = array<i32: 0>} : vector<16xi32>
    %add3A_44 = arith.constant 96 : i32
    %add3A_45 = vector.broadcast %add3A_44 : i32 to vector<16xi32>
    %add3A_46 = arith.addi %iota3A_43, %add3A_45 : vector<16xi32>
    %gather3A_47 = tpu.vector_load_idx %arg5[%add3A_46, %broadcast_in_dim3A_3] : memref<128x200xi32, #tpu.memory_space<vmem>>[vector<16xi32>, vector<16xi32>], vector<16xi32>,
    %swap3A_48 = arith.constant 96 : index
    %swap3A_49 = tpu.vector_load %arg6[%swap3A_48] {strides = array<i32>} : memref<128xi32, #tpu.memory_space<vmem>>, vector<16xi32>,
    tpu.vector_store %arg6[%swap3A_48], %gather3A_47 {strides = array<i32>} : memref<128xi32, #tpu.memory_space<vmem>>, vector<16xi32>,
    %iota3A_50 = tpu.iota {dimensions = array<i32: 0>} : vector<16xi32>
    %add3A_51 = arith.constant 112 : i32
    %add3A_52 = vector.broadcast %add3A_51 : i32 to vector<16xi32>
    %add3A_53 = arith.addi %iota3A_50, %add3A_52 : vector<16xi32>
    %gather3A_54 = tpu.vector_load_idx %arg5[%add3A_53, %broadcast_in_dim3A_3] : memref<128x200xi32, #tpu.memory_space<vmem>>[vector<16xi32>, vector<16xi32>], vector<16xi32>,
    %swap3A_55 = arith.constant 112 : index
    %swap3A_56 = tpu.vector_load %arg6[%swap3A_55] {strides = array<i32>} : memref<128xi32, #tpu.memory_space<vmem>>, vector<16xi32>,
    tpu.vector_store %arg6[%swap3A_55], %gather3A_54 {strides = array<i32>} : memref<128xi32, #tpu.memory_space<vmem>>, vector<16xi32>,
    %dma_start3A = arith.constant 0 : i32
    %dma_start3A_57 = arith.constant 0 : i32
    %dma_start3A_58 = tpu.memref_slice %arg3[%dma_start3A, %dma_start3A_57] : memref<1000000x64xf32, #tpu.memory_space<hbm>> -> memref<1000000x64xf32, #tpu.memory_space<hbm>>
    tpu.enqueue_indirect_dma source(%dma_start3A_58 : memref<1000000x64xf32, #tpu.memory_space<hbm>>) target(%arg10 : memref<128x64xf32, #tpu.memory_space<vmem>>) offsets(%arg6 : memref<128xi32, #tpu.memory_space<vmem>>) semaphore(%arg18 : memref<!tpu.dma_semaphore, #tpu.memory_space<semaphore_mem>>)
    %scan3A = arith.constant 0 : i32
    %scan3A_59 = arith.constant 0 : i32
    %scan3A_60 = arith.constant 50 : i32
    %scan3A_61 = arith.addi %scan3A_59, %scan3A_60 : i32
    %scan3A_62 = arith.constant 1 : i32
    %scan3A_63 = scf.for %scan3A_121 = %scan3A_59 to %scan3A_61 step %scan3A_62 iter_args(%scan3A_122 = %scan3A) -> (i32)  : i32 {
      %mul3A_123 = arith.constant 4 : i32
      %mul3A_124 = arith.muli %scan3A_121, %mul3A_123 : i32
      %add3A_125 = arith.constant 0 : i32
      %add3A_126 = arith.addi %mul3A_124, %add3A_125 : i32
      %ge3A = arith.constant 3 : i32
      %ge3A_127 = arith.cmpi sge, %add3A_126, %ge3A : i32
      %convert_element_type3A = arith.extui %ge3A_127 : i1 to i32
      %cond3A = arith.constant 0 : i32
      %cond3A_128 = arith.cmpi ne, %convert_element_type3A, %cond3A : i32
      scf.if %cond3A_128 {
        %dma_wait3A_279 = arith.constant 0 : i32
        %dma_wait3A_280 = arith.constant 0 : i32
        %dma_wait3A_281 = arith.constant 0 : i32
        %dma_wait3A_282 = arith.constant 0 : i32
        %dma_wait3A_283 = tpu.memref_slice %arg15[%dma_wait3A_280, %dma_wait3A_281, %dma_wait3A_282] : memref<8x8x129xf32, #tpu.memory_space<vmem>> -> memref<8x8x128xf32, #tpu.memory_space<vmem>>
        %dma_wait3A_284 = arith.constant 0 : i32
        %dma_wait3A_285 = arith.constant 0 : i32
        %dma_wait3A_286 = arith.constant 0 : i32
        %dma_wait3A_287 = tpu.memref_slice %arg4[%dma_wait3A_279, %dma_wait3A_284, %add3A, %dma_wait3A_285, %dma_wait3A_286] : memref<200x8x32x8x128xf32, #tpu.memory_space<hbm>> -> memref<1x8x1x8x128xf32, #tpu.memory_space<hbm>>
        %dma_wait3A_288 = tpu.memref_squeeze %dma_wait3A_287 : memref<1x8x1x8x128xf32, #tpu.memory_space<hbm>> -> memref<8x8x128xf32, #tpu.memory_space<hbm>>
        %dma_wait3A_289 = arith.constant 0 : i32
        %dma_wait3A_290 = arith.constant 0 : i32
        %dma_wait3A_291 = arith.constant 0 : i32
        %dma_wait3A_292 = tpu.memref_slice %arg4[%dma_wait3A_279, %dma_wait3A_289, %add3A, %dma_wait3A_290, %dma_wait3A_291] : memref<200x8x32x8x128xf32, #tpu.memory_space<hbm>> -> memref<1x8x1x8x128xf32, #tpu.memory_space<hbm>>
        %dma_wait3A_293 = tpu.memref_squeeze %dma_wait3A_292 : memref<1x8x1x8x128xf32, #tpu.memory_space<hbm>> -> memref<8x8x128xf32, #tpu.memory_space<hbm>>
        %dma_wait3A_294 = arith.constant 0 : i32
        %dma_wait3A_295 = arith.constant 0 : i32
        %dma_wait3A_296 = arith.constant 0 : i32
        %dma_wait3A_297 = tpu.memref_slice %arg15[%dma_wait3A_294, %dma_wait3A_295, %dma_wait3A_296] : memref<8x8x129xf32, #tpu.memory_space<vmem>> -> memref<8x8x128xf32, #tpu.memory_space<vmem>>
        tpu.wait_dma2 semaphore(%arg23 : memref<!tpu.dma_semaphore, #tpu.memory_space<semaphore_mem>>) src(%dma_wait3A_297 : memref<8x8x128xf32, #tpu.memory_space<vmem>>) dst(%dma_wait3A_293 : memref<8x8x128xf32, #tpu.memory_space<hbm>>)
      } else {
      }
      %add3A_129 = arith.constant 1 : i32
      %add3A_130 = arith.addi %add3A_126, %add3A_129 : i32
      %lt3A = arith.constant 200 : i32
      %lt3A_131 = arith.cmpi slt, %add3A_130, %lt3A : i32
      %convert_element_type3A_132 = arith.extui %lt3A_131 : i1 to i32
      %cond3A_133 = arith.constant 0 : i32
      %cond3A_134 = arith.cmpi ne, %convert_element_type3A_132, %cond3A_133 : i32
      scf.if %cond3A_134 {
        %add3A_279 = arith.constant 1 : i32
        %add3A_280 = arith.addi %add3A_126, %add3A_279 : i32
        %broadcast_in_dim3A_281 = vector.broadcast %add3A_280 : i32 to vector<16xi32>
        %iota3A_282 = tpu.iota {dimensions = array<i32: 0>} : vector<16xi32>
        %add3A_283 = arith.constant 0 : i32
        %add3A_284 = vector.broadcast %add3A_283 : i32 to vector<16xi32>
        %add3A_285 = arith.addi %iota3A_282, %add3A_284 : vector<16xi32>
        %gather3A_286 = tpu.vector_load_idx %arg5[%add3A_285, %broadcast_in_dim3A_281] : memref<128x200xi32, #tpu.memory_space<vmem>>[vector<16xi32>, vector<16xi32>], vector<16xi32>,
        %swap3A_287 = arith.constant 0 : index
        %swap3A_288 = tpu.vector_load %arg7[%swap3A_287] {strides = array<i32>} : memref<128xi32, #tpu.memory_space<vmem>>, vector<16xi32>,
        tpu.vector_store %arg7[%swap3A_287], %gather3A_286 {strides = array<i32>} : memref<128xi32, #tpu.memory_space<vmem>>, vector<16xi32>,
        %iota3A_289 = tpu.iota {dimensions = array<i32: 0>} : vector<16xi32>
        %add3A_290 = arith.constant 16 : i32
        %add3A_291 = vector.broadcast %add3A_290 : i32 to vector<16xi32>
        %add3A_292 = arith.addi %iota3A_289, %add3A_291 : vector<16xi32>
        %gather3A_293 = tpu.vector_load_idx %arg5[%add3A_292, %broadcast_in_dim3A_281] : memref<128x200xi32, #tpu.memory_space<vmem>>[vector<16xi32>, vector<16xi32>], vector<16xi32>,
        %swap3A_294 = arith.constant 16 : index
        %swap3A_295 = tpu.vector_load %arg7[%swap3A_294] {strides = array<i32>} : memref<128xi32, #tpu.memory_space<vmem>>, vector<16xi32>,
        tpu.vector_store %arg7[%swap3A_294], %gather3A_293 {strides = array<i32>} : memref<128xi32, #tpu.memory_space<vmem>>, vector<16xi32>,
        %iota3A_296 = tpu.iota {dimensions = array<i32: 0>} : vector<16xi32>
        %add3A_297 = arith.constant 32 : i32
        %add3A_298 = vector.broadcast %add3A_297 : i32 to vector<16xi32>
        %add3A_299 = arith.addi %iota3A_296, %add3A_298 : vector<16xi32>
        %gather3A_300 = tpu.vector_load_idx %arg5[%add3A_299, %broadcast_in_dim3A_281] : memref<128x200xi32, #tpu.memory_space<vmem>>[vector<16xi32>, vector<16xi32>], vector<16xi32>,
        %swap3A_301 = arith.constant 32 : index
        %swap3A_302 = tpu.vector_load %arg7[%swap3A_301] {strides = array<i32>} : memref<128xi32, #tpu.memory_space<vmem>>, vector<16xi32>,
        tpu.vector_store %arg7[%swap3A_301], %gather3A_300 {strides = array<i32>} : memref<128xi32, #tpu.memory_space<vmem>>, vector<16xi32>,
        %iota3A_303 = tpu.iota {dimensions = array<i32: 0>} : vector<16xi32>
        %add3A_304 = arith.constant 48 : i32
        %add3A_305 = vector.broadcast %add3A_304 : i32 to vector<16xi32>
        %add3A_306 = arith.addi %iota3A_303, %add3A_305 : vector<16xi32>
        %gather3A_307 = tpu.vector_load_idx %arg5[%add3A_306, %broadcast_in_dim3A_281] : memref<128x200xi32, #tpu.memory_space<vmem>>[vector<16xi32>, vector<16xi32>], vector<16xi32>,
        %swap3A_308 = arith.constant 48 : index
        %swap3A_309 = tpu.vector_load %arg7[%swap3A_308] {strides = array<i32>} : memref<128xi32, #tpu.memory_space<vmem>>, vector<16xi32>,
        tpu.vector_store %arg7[%swap3A_308], %gather3A_307 {strides = array<i32>} : memref<128xi32, #tpu.memory_space<vmem>>, vector<16xi32>,
        %iota3A_310 = tpu.iota {dimensions = array<i32: 0>} : vector<16xi32>
        %add3A_311 = arith.constant 64 : i32
        %add3A_312 = vector.broadcast %add3A_311 : i32 to vector<16xi32>
        %add3A_313 = arith.addi %iota3A_310, %add3A_312 : vector<16xi32>
        %gather3A_314 = tpu.vector_load_idx %arg5[%add3A_313, %broadcast_in_dim3A_281] : memref<128x200xi32, #tpu.memory_space<vmem>>[vector<16xi32>, vector<16xi32>], vector<16xi32>,
        %swap3A_315 = arith.constant 64 : index
        %swap3A_316 = tpu.vector_load %arg7[%swap3A_315] {strides = array<i32>} : memref<128xi32, #tpu.memory_space<vmem>>, vector<16xi32>,
        tpu.vector_store %arg7[%swap3A_315], %gather3A_314 {strides = array<i32>} : memref<128xi32, #tpu.memory_space<vmem>>, vector<16xi32>,
        %iota3A_317 = tpu.iota {dimensions = array<i32: 0>} : vector<16xi32>
        %add3A_318 = arith.constant 80 : i32
        %add3A_319 = vector.broadcast %add3A_318 : i32 to vector<16xi32>
        %add3A_320 = arith.addi %iota3A_317, %add3A_319 : vector<16xi32>
        %gather3A_321 = tpu.vector_load_idx %arg5[%add3A_320, %broadcast_in_dim3A_281] : memref<128x200xi32, #tpu.memory_space<vmem>>[vector<16xi32>, vector<16xi32>], vector<16xi32>,
        %swap3A_322 = arith.constant 80 : index
        %swap3A_323 = tpu.vector_load %arg7[%swap3A_322] {strides = array<i32>} : memref<128xi32, #tpu.memory_space<vmem>>, vector<16xi32>,
        tpu.vector_store %arg7[%swap3A_322], %gather3A_321 {strides = array<i32>} : memref<128xi32, #tpu.memory_space<vmem>>, vector<16xi32>,
        %iota3A_324 = tpu.iota {dimensions = array<i32: 0>} : vector<16xi32>
        %add3A_325 = arith.constant 96 : i32
        %add3A_326 = vector.broadcast %add3A_325 : i32 to vector<16xi32>
        %add3A_327 = arith.addi %iota3A_324, %add3A_326 : vector<16xi32>
        %gather3A_328 = tpu.vector_load_idx %arg5[%add3A_327, %broadcast_in_dim3A_281] : memref<128x200xi32, #tpu.memory_space<vmem>>[vector<16xi32>, vector<16xi32>], vector<16xi32>,
        %swap3A_329 = arith.constant 96 : index
        %swap3A_330 = tpu.vector_load %arg7[%swap3A_329] {strides = array<i32>} : memref<128xi32, #tpu.memory_space<vmem>>, vector<16xi32>,
        tpu.vector_store %arg7[%swap3A_329], %gather3A_328 {strides = array<i32>} : memref<128xi32, #tpu.memory_space<vmem>>, vector<16xi32>,
        %iota3A_331 = tpu.iota {dimensions = array<i32: 0>} : vector<16xi32>
        %add3A_332 = arith.constant 112 : i32
        %add3A_333 = vector.broadcast %add3A_332 : i32 to vector<16xi32>
        %add3A_334 = arith.addi %iota3A_331, %add3A_333 : vector<16xi32>
        %gather3A_335 = tpu.vector_load_idx %arg5[%add3A_334, %broadcast_in_dim3A_281] : memref<128x200xi32, #tpu.memory_space<vmem>>[vector<16xi32>, vector<16xi32>], vector<16xi32>,
        %swap3A_336 = arith.constant 112 : index
        %swap3A_337 = tpu.vector_load %arg7[%swap3A_336] {strides = array<i32>} : memref<128xi32, #tpu.memory_space<vmem>>, vector<16xi32>,
        tpu.vector_store %arg7[%swap3A_336], %gather3A_335 {strides = array<i32>} : memref<128xi32, #tpu.memory_space<vmem>>, vector<16xi32>,
        %dma_start3A_338 = arith.constant 0 : i32
        %dma_start3A_339 = arith.constant 0 : i32
        %dma_start3A_340 = tpu.memref_slice %arg3[%dma_start3A_338, %dma_start3A_339] : memref<1000000x64xf32, #tpu.memory_space<hbm>> -> memref<1000000x64xf32, #tpu.memory_space<hbm>>
        tpu.enqueue_indirect_dma source(%dma_start3A_340 : memref<1000000x64xf32, #tpu.memory_space<hbm>>) target(%arg11 : memref<128x64xf32, #tpu.memory_space<vmem>>) offsets(%arg7 : memref<128xi32, #tpu.memory_space<vmem>>) semaphore(%arg19 : memref<!tpu.dma_semaphore, #tpu.memory_space<semaphore_mem>>)
      } else {
      }
      %dma_wait3A_135 = arith.constant 0 : i32
      %dma_wait3A_136 = arith.constant 0 : i32
      %dma_wait3A_137 = tpu.memref_slice %arg3[%dma_wait3A_135, %dma_wait3A_136] : memref<1000000x64xf32, #tpu.memory_space<hbm>> -> memref<1000000x64xf32, #tpu.memory_space<hbm>>
      tpu.wait_indirect_dma semaphore(%arg18 : memref<!tpu.dma_semaphore, #tpu.memory_space<semaphore_mem>>) src(%dma_wait3A_137 : memref<1000000x64xf32, #tpu.memory_space<hbm>>) dst(%arg10 : memref<128x64xf32, #tpu.memory_space<vmem>>)
      %parallel_loop3A = arith.constant 0 : i32
      %parallel_loop3A_138 = arith.constant 128 : i32
      %parallel_loop3A_139 = arith.constant 1 : i32
      scf.for %parallel_loop3A_279 = %parallel_loop3A to %parallel_loop3A_138 step %parallel_loop3A_139  : i32 {
        %parallel_loop3A_280 = vector.broadcast %parallel_loop3A_279 : i32 to vector<16xi32>
        %parallel_loop3A_281 = arith.index_cast %parallel_loop3A_279 : i32 to index
        %parallel_loop3A_282 = arith.constant 0 : index
        %parallel_loop3A_283 = tpu.vector_load %arg10[%parallel_loop3A_281, %parallel_loop3A_282] {strides = array<i32>} : memref<128x64xf32, #tpu.memory_space<vmem>>, vector<16xf32>,
        %parallel_loop3A_284 = arith.constant 8.000000e+00 : f32
        %parallel_loop3A_285 = vector.broadcast %parallel_loop3A_284 : f32 to vector<16xf32>
        %parallel_loop3A_286 = arith.mulf %parallel_loop3A_283, %parallel_loop3A_285 : vector<16xf32>
        %parallel_loop3A_287 = tpu.iota {dimensions = array<i32: 0>} : vector<16xi32>
        %parallel_loop3A_288 = arith.constant 0 : i32
        %parallel_loop3A_289 = vector.broadcast %parallel_loop3A_288 : i32 to vector<16xi32>
        %parallel_loop3A_290 = arith.addi %parallel_loop3A_287, %parallel_loop3A_289 : vector<16xi32>
        %parallel_loop3A_291 = arith.constant 3 : i32
        %parallel_loop3A_292 = vector.broadcast %parallel_loop3A_291 : i32 to vector<16xi32>
        %parallel_loop3A_293 = arith.shrui %parallel_loop3A_290, %parallel_loop3A_292 : vector<16xi32>
        %parallel_loop3A_294 = arith.constant 7 : i32
        %parallel_loop3A_295 = vector.broadcast %parallel_loop3A_294 : i32 to vector<16xi32>
        %parallel_loop3A_296 = arith.andi %parallel_loop3A_290, %parallel_loop3A_295 : vector<16xi32>
        tpu.vector_store_idx %arg14[%parallel_loop3A_293, %parallel_loop3A_296, %parallel_loop3A_280], %parallel_loop3A_286 : memref<8x8x129xf32, #tpu.memory_space<vmem>>[vector<16xi32>, vector<16xi32>, vector<16xi32>], vector<16xf32>,
        %parallel_loop3A_297 = arith.index_cast %parallel_loop3A_279 : i32 to index
        %parallel_loop3A_298 = arith.constant 16 : index
        %parallel_loop3A_299 = tpu.vector_load %arg10[%parallel_loop3A_297, %parallel_loop3A_298] {strides = array<i32>} : memref<128x64xf32, #tpu.memory_space<vmem>>, vector<16xf32>,
        %parallel_loop3A_300 = arith.constant 8.000000e+00 : f32
        %parallel_loop3A_301 = vector.broadcast %parallel_loop3A_300 : f32 to vector<16xf32>
        %parallel_loop3A_302 = arith.mulf %parallel_loop3A_299, %parallel_loop3A_301 : vector<16xf32>
        %parallel_loop3A_303 = tpu.iota {dimensions = array<i32: 0>} : vector<16xi32>
        %parallel_loop3A_304 = arith.constant 16 : i32
        %parallel_loop3A_305 = vector.broadcast %parallel_loop3A_304 : i32 to vector<16xi32>
        %parallel_loop3A_306 = arith.addi %parallel_loop3A_303, %parallel_loop3A_305 : vector<16xi32>
        %parallel_loop3A_307 = arith.constant 3 : i32
        %parallel_loop3A_308 = vector.broadcast %parallel_loop3A_307 : i32 to vector<16xi32>
        %parallel_loop3A_309 = arith.shrui %parallel_loop3A_306, %parallel_loop3A_308 : vector<16xi32>
        %parallel_loop3A_310 = arith.constant 7 : i32
        %parallel_loop3A_311 = vector.broadcast %parallel_loop3A_310 : i32 to vector<16xi32>
        %parallel_loop3A_312 = arith.andi %parallel_loop3A_306, %parallel_loop3A_311 : vector<16xi32>
        tpu.vector_store_idx %arg14[%parallel_loop3A_309, %parallel_loop3A_312, %parallel_loop3A_280], %parallel_loop3A_302 : memref<8x8x129xf32, #tpu.memory_space<vmem>>[vector<16xi32>, vector<16xi32>, vector<16xi32>], vector<16xf32>,
        %parallel_loop3A_313 = arith.index_cast %parallel_loop3A_279 : i32 to index
        %parallel_loop3A_314 = arith.constant 32 : index
        %parallel_loop3A_315 = tpu.vector_load %arg10[%parallel_loop3A_313, %parallel_loop3A_314] {strides = array<i32>} : memref<128x64xf32, #tpu.memory_space<vmem>>, vector<16xf32>,
        %parallel_loop3A_316 = arith.constant 8.000000e+00 : f32
        %parallel_loop3A_317 = vector.broadcast %parallel_loop3A_316 : f32 to vector<16xf32>
        %parallel_loop3A_318 = arith.mulf %parallel_loop3A_315, %parallel_loop3A_317 : vector<16xf32>
        %parallel_loop3A_319 = tpu.iota {dimensions = array<i32: 0>} : vector<16xi32>
        %parallel_loop3A_320 = arith.constant 32 : i32
        %parallel_loop3A_321 = vector.broadcast %parallel_loop3A_320 : i32 to vector<16xi32>
        %parallel_loop3A_322 = arith.addi %parallel_loop3A_319, %parallel_loop3A_321 : vector<16xi32>
        %parallel_loop3A_323 = arith.constant 3 : i32
        %parallel_loop3A_324 = vector.broadcast %parallel_loop3A_323 : i32 to vector<16xi32>
        %parallel_loop3A_325 = arith.shrui %parallel_loop3A_322, %parallel_loop3A_324 : vector<16xi32>
        %parallel_loop3A_326 = arith.constant 7 : i32
        %parallel_loop3A_327 = vector.broadcast %parallel_loop3A_326 : i32 to vector<16xi32>
        %parallel_loop3A_328 = arith.andi %parallel_loop3A_322, %parallel_loop3A_327 : vector<16xi32>
        tpu.vector_store_idx %arg14[%parallel_loop3A_325, %parallel_loop3A_328, %parallel_loop3A_280], %parallel_loop3A_318 : memref<8x8x129xf32, #tpu.memory_space<vmem>>[vector<16xi32>, vector<16xi32>, vector<16xi32>], vector<16xf32>,
        %parallel_loop3A_329 = arith.index_cast %parallel_loop3A_279 : i32 to index
        %parallel_loop3A_330 = arith.constant 48 : index
        %parallel_loop3A_331 = tpu.vector_load %arg10[%parallel_loop3A_329, %parallel_loop3A_330] {strides = array<i32>} : memref<128x64xf32, #tpu.memory_space<vmem>>, vector<16xf32>,
        %parallel_loop3A_332 = arith.constant 8.000000e+00 : f32
        %parallel_loop3A_333 = vector.broadcast %parallel_loop3A_332 : f32 to vector<16xf32>
        %parallel_loop3A_334 = arith.mulf %parallel_loop3A_331, %parallel_loop3A_333 : vector<16xf32>
        %parallel_loop3A_335 = tpu.iota {dimensions = array<i32: 0>} : vector<16xi32>
        %parallel_loop3A_336 = arith.constant 48 : i32
        %parallel_loop3A_337 = vector.broadcast %parallel_loop3A_336 : i32 to vector<16xi32>
        %parallel_loop3A_338 = arith.addi %parallel_loop3A_335, %parallel_loop3A_337 : vector<16xi32>
        %parallel_loop3A_339 = arith.constant 3 : i32
        %parallel_loop3A_340 = vector.broadcast %parallel_loop3A_339 : i32 to vector<16xi32>
        %parallel_loop3A_341 = arith.shrui %parallel_loop3A_338, %parallel_loop3A_340 : vector<16xi32>
        %parallel_loop3A_342 = arith.constant 7 : i32
        %parallel_loop3A_343 = vector.broadcast %parallel_loop3A_342 : i32 to vector<16xi32>
        %parallel_loop3A_344 = arith.andi %parallel_loop3A_338, %parallel_loop3A_343 : vector<16xi32>
        tpu.vector_store_idx %arg14[%parallel_loop3A_341, %parallel_loop3A_344, %parallel_loop3A_280], %parallel_loop3A_334 : memref<8x8x129xf32, #tpu.memory_space<vmem>>[vector<16xi32>, vector<16xi32>, vector<16xi32>], vector<16xf32>,
      } {sc.loop_unroll_factor = 4 : i64, sc.parallel_access}
      %dma_start3A_140 = arith.constant 0 : i32
      %dma_start3A_141 = arith.constant 0 : i32
      %dma_start3A_142 = arith.constant 0 : i32
      %dma_start3A_143 = tpu.memref_slice %arg14[%dma_start3A_140, %dma_start3A_141, %dma_start3A_142] : memref<8x8x129xf32, #tpu.memory_space<vmem>> -> memref<8x8x128xf32, #tpu.memory_space<vmem>>
      %dma_start3A_144 = arith.constant 0 : i32
      %dma_start3A_145 = arith.constant 0 : i32
      %dma_start3A_146 = arith.constant 0 : i32
      %dma_start3A_147 = tpu.memref_slice %arg4[%add3A_126, %dma_start3A_144, %add3A, %dma_start3A_145, %dma_start3A_146] : memref<200x8x32x8x128xf32, #tpu.memory_space<hbm>> -> memref<1x8x1x8x128xf32, #tpu.memory_space<hbm>>
      %dma_start3A_148 = tpu.memref_squeeze %dma_start3A_147 : memref<1x8x1x8x128xf32, #tpu.memory_space<hbm>> -> memref<8x8x128xf32, #tpu.memory_space<hbm>>
      %dma_start3A_149 = arith.constant 0 : i32
      %dma_start3A_150 = arith.constant 0 : i32
      %dma_start3A_151 = arith.constant 0 : i32
      %dma_start3A_152 = tpu.memref_slice %arg4[%add3A_126, %dma_start3A_149, %add3A, %dma_start3A_150, %dma_start3A_151] : memref<200x8x32x8x128xf32, #tpu.memory_space<hbm>> -> memref<1x8x1x8x128xf32, #tpu.memory_space<hbm>>
      %dma_start3A_153 = tpu.memref_squeeze %dma_start3A_152 : memref<1x8x1x8x128xf32, #tpu.memory_space<hbm>> -> memref<8x8x128xf32, #tpu.memory_space<hbm>>
      %dma_start3A_154 = arith.constant 0 : i32
      %dma_start3A_155 = arith.constant 0 : i32
      %dma_start3A_156 = arith.constant 0 : i32
      %dma_start3A_157 = tpu.memref_slice %arg14[%dma_start3A_154, %dma_start3A_155, %dma_start3A_156] : memref<8x8x129xf32, #tpu.memory_space<vmem>> -> memref<8x8x128xf32, #tpu.memory_space<vmem>>
      tpu.enqueue_dma source(%dma_start3A_157 : memref<8x8x128xf32, #tpu.memory_space<vmem>>) target(%dma_start3A_153 : memref<8x8x128xf32, #tpu.memory_space<hbm>>) target_semaphore(%arg22 : memref<!tpu.dma_semaphore, #tpu.memory_space<semaphore_mem>>)
      %mul3A_158 = arith.constant 4 : i32
      %mul3A_159 = arith.muli %scan3A_121, %mul3A_158 : i32
      %add3A_160 = arith.constant 1 : i32
      %add3A_161 = arith.addi %mul3A_159, %add3A_160 : i32
      %ge3A_162 = arith.constant 3 : i32
      %ge3A_163 = arith.cmpi sge, %add3A_161, %ge3A_162 : i32
      %convert_element_type3A_164 = arith.extui %ge3A_163 : i1 to i32
      %cond3A_165 = arith.constant 0 : i32
      %cond3A_166 = arith.cmpi ne, %convert_element_type3A_164, %cond3A_165 : i32
      scf.if %cond3A_166 {
        %dma_wait3A_279 = arith.constant 0 : i32
        %dma_wait3A_280 = arith.constant 0 : i32
        %dma_wait3A_281 = arith.constant 0 : i32
        %dma_wait3A_282 = arith.constant 0 : i32
        %dma_wait3A_283 = tpu.memref_slice %arg16[%dma_wait3A_280, %dma_wait3A_281, %dma_wait3A_282] : memref<8x8x129xf32, #tpu.memory_space<vmem>> -> memref<8x8x128xf32, #tpu.memory_space<vmem>>
        %dma_wait3A_284 = arith.constant 0 : i32
        %dma_wait3A_285 = arith.constant 0 : i32
        %dma_wait3A_286 = arith.constant 0 : i32
        %dma_wait3A_287 = tpu.memref_slice %arg4[%dma_wait3A_279, %dma_wait3A_284, %add3A, %dma_wait3A_285, %dma_wait3A_286] : memref<200x8x32x8x128xf32, #tpu.memory_space<hbm>> -> memref<1x8x1x8x128xf32, #tpu.memory_space<hbm>>
        %dma_wait3A_288 = tpu.memref_squeeze %dma_wait3A_287 : memref<1x8x1x8x128xf32, #tpu.memory_space<hbm>> -> memref<8x8x128xf32, #tpu.memory_space<hbm>>
        %dma_wait3A_289 = arith.constant 0 : i32
        %dma_wait3A_290 = arith.constant 0 : i32
        %dma_wait3A_291 = arith.constant 0 : i32
        %dma_wait3A_292 = tpu.memref_slice %arg4[%dma_wait3A_279, %dma_wait3A_289, %add3A, %dma_wait3A_290, %dma_wait3A_291] : memref<200x8x32x8x128xf32, #tpu.memory_space<hbm>> -> memref<1x8x1x8x128xf32, #tpu.memory_space<hbm>>
        %dma_wait3A_293 = tpu.memref_squeeze %dma_wait3A_292 : memref<1x8x1x8x128xf32, #tpu.memory_space<hbm>> -> memref<8x8x128xf32, #tpu.memory_space<hbm>>
        %dma_wait3A_294 = arith.constant 0 : i32
        %dma_wait3A_295 = arith.constant 0 : i32
        %dma_wait3A_296 = arith.constant 0 : i32
        %dma_wait3A_297 = tpu.memref_slice %arg16[%dma_wait3A_294, %dma_wait3A_295, %dma_wait3A_296] : memref<8x8x129xf32, #tpu.memory_space<vmem>> -> memref<8x8x128xf32, #tpu.memory_space<vmem>>
        tpu.wait_dma2 semaphore(%arg24 : memref<!tpu.dma_semaphore, #tpu.memory_space<semaphore_mem>>) src(%dma_wait3A_297 : memref<8x8x128xf32, #tpu.memory_space<vmem>>) dst(%dma_wait3A_293 : memref<8x8x128xf32, #tpu.memory_space<hbm>>)
      } else {
      }
      %add3A_167 = arith.constant 1 : i32
      %add3A_168 = arith.addi %add3A_161, %add3A_167 : i32
      %lt3A_169 = arith.constant 200 : i32
      %lt3A_170 = arith.cmpi slt, %add3A_168, %lt3A_169 : i32
      %convert_element_type3A_171 = arith.extui %lt3A_170 : i1 to i32
      %cond3A_172 = arith.constant 0 : i32
      %cond3A_173 = arith.cmpi ne, %convert_element_type3A_171, %cond3A_172 : i32
      scf.if %cond3A_173 {
        %add3A_279 = arith.constant 1 : i32
        %add3A_280 = arith.addi %add3A_161, %add3A_279 : i32
        %broadcast_in_dim3A_281 = vector.broadcast %add3A_280 : i32 to vector<16xi32>
        %iota3A_282 = tpu.iota {dimensions = array<i32: 0>} : vector<16xi32>
        %add3A_283 = arith.constant 0 : i32
        %add3A_284 = vector.broadcast %add3A_283 : i32 to vector<16xi32>
        %add3A_285 = arith.addi %iota3A_282, %add3A_284 : vector<16xi32>
        %gather3A_286 = tpu.vector_load_idx %arg5[%add3A_285, %broadcast_in_dim3A_281] : memref<128x200xi32, #tpu.memory_space<vmem>>[vector<16xi32>, vector<16xi32>], vector<16xi32>,
        %swap3A_287 = arith.constant 0 : index
        %swap3A_288 = tpu.vector_load %arg8[%swap3A_287] {strides = array<i32>} : memref<128xi32, #tpu.memory_space<vmem>>, vector<16xi32>,
        tpu.vector_store %arg8[%swap3A_287], %gather3A_286 {strides = array<i32>} : memref<128xi32, #tpu.memory_space<vmem>>, vector<16xi32>,
        %iota3A_289 = tpu.iota {dimensions = array<i32: 0>} : vector<16xi32>
        %add3A_290 = arith.constant 16 : i32
        %add3A_291 = vector.broadcast %add3A_290 : i32 to vector<16xi32>
        %add3A_292 = arith.addi %iota3A_289, %add3A_291 : vector<16xi32>
        %gather3A_293 = tpu.vector_load_idx %arg5[%add3A_292, %broadcast_in_dim3A_281] : memref<128x200xi32, #tpu.memory_space<vmem>>[vector<16xi32>, vector<16xi32>], vector<16xi32>,
        %swap3A_294 = arith.constant 16 : index
        %swap3A_295 = tpu.vector_load %arg8[%swap3A_294] {strides = array<i32>} : memref<128xi32, #tpu.memory_space<vmem>>, vector<16xi32>,
        tpu.vector_store %arg8[%swap3A_294], %gather3A_293 {strides = array<i32>} : memref<128xi32, #tpu.memory_space<vmem>>, vector<16xi32>,
        %iota3A_296 = tpu.iota {dimensions = array<i32: 0>} : vector<16xi32>
        %add3A_297 = arith.constant 32 : i32
        %add3A_298 = vector.broadcast %add3A_297 : i32 to vector<16xi32>
        %add3A_299 = arith.addi %iota3A_296, %add3A_298 : vector<16xi32>
        %gather3A_300 = tpu.vector_load_idx %arg5[%add3A_299, %broadcast_in_dim3A_281] : memref<128x200xi32, #tpu.memory_space<vmem>>[vector<16xi32>, vector<16xi32>], vector<16xi32>,
        %swap3A_301 = arith.constant 32 : index
        %swap3A_302 = tpu.vector_load %arg8[%swap3A_301] {strides = array<i32>} : memref<128xi32, #tpu.memory_space<vmem>>, vector<16xi32>,
        tpu.vector_store %arg8[%swap3A_301], %gather3A_300 {strides = array<i32>} : memref<128xi32, #tpu.memory_space<vmem>>, vector<16xi32>,
        %iota3A_303 = tpu.iota {dimensions = array<i32: 0>} : vector<16xi32>
        %add3A_304 = arith.constant 48 : i32
        %add3A_305 = vector.broadcast %add3A_304 : i32 to vector<16xi32>
        %add3A_306 = arith.addi %iota3A_303, %add3A_305 : vector<16xi32>
        %gather3A_307 = tpu.vector_load_idx %arg5[%add3A_306, %broadcast_in_dim3A_281] : memref<128x200xi32, #tpu.memory_space<vmem>>[vector<16xi32>, vector<16xi32>], vector<16xi32>,
        %swap3A_308 = arith.constant 48 : index
        %swap3A_309 = tpu.vector_load %arg8[%swap3A_308] {strides = array<i32>} : memref<128xi32, #tpu.memory_space<vmem>>, vector<16xi32>,
        tpu.vector_store %arg8[%swap3A_308], %gather3A_307 {strides = array<i32>} : memref<128xi32, #tpu.memory_space<vmem>>, vector<16xi32>,
        %iota3A_310 = tpu.iota {dimensions = array<i32: 0>} : vector<16xi32>
        %add3A_311 = arith.constant 64 : i32
        %add3A_312 = vector.broadcast %add3A_311 : i32 to vector<16xi32>
        %add3A_313 = arith.addi %iota3A_310, %add3A_312 : vector<16xi32>
        %gather3A_314 = tpu.vector_load_idx %arg5[%add3A_313, %broadcast_in_dim3A_281] : memref<128x200xi32, #tpu.memory_space<vmem>>[vector<16xi32>, vector<16xi32>], vector<16xi32>,
        %swap3A_315 = arith.constant 64 : index
        %swap3A_316 = tpu.vector_load %arg8[%swap3A_315] {strides = array<i32>} : memref<128xi32, #tpu.memory_space<vmem>>, vector<16xi32>,
        tpu.vector_store %arg8[%swap3A_315], %gather3A_314 {strides = array<i32>} : memref<128xi32, #tpu.memory_space<vmem>>, vector<16xi32>,
        %iota3A_317 = tpu.iota {dimensions = array<i32: 0>} : vector<16xi32>
        %add3A_318 = arith.constant 80 : i32
        %add3A_319 = vector.broadcast %add3A_318 : i32 to vector<16xi32>
        %add3A_320 = arith.addi %iota3A_317, %add3A_319 : vector<16xi32>
        %gather3A_321 = tpu.vector_load_idx %arg5[%add3A_320, %broadcast_in_dim3A_281] : memref<128x200xi32, #tpu.memory_space<vmem>>[vector<16xi32>, vector<16xi32>], vector<16xi32>,
        %swap3A_322 = arith.constant 80 : index
        %swap3A_323 = tpu.vector_load %arg8[%swap3A_322] {strides = array<i32>} : memref<128xi32, #tpu.memory_space<vmem>>, vector<16xi32>,
        tpu.vector_store %arg8[%swap3A_322], %gather3A_321 {strides = array<i32>} : memref<128xi32, #tpu.memory_space<vmem>>, vector<16xi32>,
        %iota3A_324 = tpu.iota {dimensions = array<i32: 0>} : vector<16xi32>
        %add3A_325 = arith.constant 96 : i32
        %add3A_326 = vector.broadcast %add3A_325 : i32 to vector<16xi32>
        %add3A_327 = arith.addi %iota3A_324, %add3A_326 : vector<16xi32>
        %gather3A_328 = tpu.vector_load_idx %arg5[%add3A_327, %broadcast_in_dim3A_281] : memref<128x200xi32, #tpu.memory_space<vmem>>[vector<16xi32>, vector<16xi32>], vector<16xi32>,
        %swap3A_329 = arith.constant 96 : index
        %swap3A_330 = tpu.vector_load %arg8[%swap3A_329] {strides = array<i32>} : memref<128xi32, #tpu.memory_space<vmem>>, vector<16xi32>,
        tpu.vector_store %arg8[%swap3A_329], %gather3A_328 {strides = array<i32>} : memref<128xi32, #tpu.memory_space<vmem>>, vector<16xi32>,
        %iota3A_331 = tpu.iota {dimensions = array<i32: 0>} : vector<16xi32>
        %add3A_332 = arith.constant 112 : i32
        %add3A_333 = vector.broadcast %add3A_332 : i32 to vector<16xi32>
        %add3A_334 = arith.addi %iota3A_331, %add3A_333 : vector<16xi32>
        %gather3A_335 = tpu.vector_load_idx %arg5[%add3A_334, %broadcast_in_dim3A_281] : memref<128x200xi32, #tpu.memory_space<vmem>>[vector<16xi32>, vector<16xi32>], vector<16xi32>,
        %swap3A_336 = arith.constant 112 : index
        %swap3A_337 = tpu.vector_load %arg8[%swap3A_336] {strides = array<i32>} : memref<128xi32, #tpu.memory_space<vmem>>, vector<16xi32>,
        tpu.vector_store %arg8[%swap3A_336], %gather3A_335 {strides = array<i32>} : memref<128xi32, #tpu.memory_space<vmem>>, vector<16xi32>,
        %dma_start3A_338 = arith.constant 0 : i32
        %dma_start3A_339 = arith.constant 0 : i32
        %dma_start3A_340 = tpu.memref_slice %arg3[%dma_start3A_338, %dma_start3A_339] : memref<1000000x64xf32, #tpu.memory_space<hbm>> -> memref<1000000x64xf32, #tpu.memory_space<hbm>>
        tpu.enqueue_indirect_dma source(%dma_start3A_340 : memref<1000000x64xf32, #tpu.memory_space<hbm>>) target(%arg12 : memref<128x64xf32, #tpu.memory_space<vmem>>) offsets(%arg8 : memref<128xi32, #tpu.memory_space<vmem>>) semaphore(%arg20 : memref<!tpu.dma_semaphore, #tpu.memory_space<semaphore_mem>>)
      } else {
      }
      %dma_wait3A_174 = arith.constant 0 : i32
      %dma_wait3A_175 = arith.constant 0 : i32
      %dma_wait3A_176 = tpu.memref_slice %arg3[%dma_wait3A_174, %dma_wait3A_175] : memref<1000000x64xf32, #tpu.memory_space<hbm>> -> memref<1000000x64xf32, #tpu.memory_space<hbm>>
      tpu.wait_indirect_dma semaphore(%arg19 : memref<!tpu.dma_semaphore, #tpu.memory_space<semaphore_mem>>) src(%dma_wait3A_176 : memref<1000000x64xf32, #tpu.memory_space<hbm>>) dst(%arg11 : memref<128x64xf32, #tpu.memory_space<vmem>>)
      %parallel_loop3A_177 = arith.constant 0 : i32
      %parallel_loop3A_178 = arith.constant 128 : i32
      %parallel_loop3A_179 = arith.constant 1 : i32
      scf.for %parallel_loop3A_279 = %parallel_loop3A_177 to %parallel_loop3A_178 step %parallel_loop3A_179  : i32 {
        %parallel_loop3A_280 = vector.broadcast %parallel_loop3A_279 : i32 to vector<16xi32>
        %parallel_loop3A_281 = arith.index_cast %parallel_loop3A_279 : i32 to index
        %parallel_loop3A_282 = arith.constant 0 : index
        %parallel_loop3A_283 = tpu.vector_load %arg11[%parallel_loop3A_281, %parallel_loop3A_282] {strides = array<i32>} : memref<128x64xf32, #tpu.memory_space<vmem>>, vector<16xf32>,
        %parallel_loop3A_284 = arith.constant 8.000000e+00 : f32
        %parallel_loop3A_285 = vector.broadcast %parallel_loop3A_284 : f32 to vector<16xf32>
        %parallel_loop3A_286 = arith.mulf %parallel_loop3A_283, %parallel_loop3A_285 : vector<16xf32>
        %parallel_loop3A_287 = tpu.iota {dimensions = array<i32: 0>} : vector<16xi32>
        %parallel_loop3A_288 = arith.constant 0 : i32
        %parallel_loop3A_289 = vector.broadcast %parallel_loop3A_288 : i32 to vector<16xi32>
        %parallel_loop3A_290 = arith.addi %parallel_loop3A_287, %parallel_loop3A_289 : vector<16xi32>
        %parallel_loop3A_291 = arith.constant 3 : i32
        %parallel_loop3A_292 = vector.broadcast %parallel_loop3A_291 : i32 to vector<16xi32>
        %parallel_loop3A_293 = arith.shrui %parallel_loop3A_290, %parallel_loop3A_292 : vector<16xi32>
        %parallel_loop3A_294 = arith.constant 7 : i32
        %parallel_loop3A_295 = vector.broadcast %parallel_loop3A_294 : i32 to vector<16xi32>
        %parallel_loop3A_296 = arith.andi %parallel_loop3A_290, %parallel_loop3A_295 : vector<16xi32>
        tpu.vector_store_idx %arg15[%parallel_loop3A_293, %parallel_loop3A_296, %parallel_loop3A_280], %parallel_loop3A_286 : memref<8x8x129xf32, #tpu.memory_space<vmem>>[vector<16xi32>, vector<16xi32>, vector<16xi32>], vector<16xf32>,
        %parallel_loop3A_297 = arith.index_cast %parallel_loop3A_279 : i32 to index
        %parallel_loop3A_298 = arith.constant 16 : index
        %parallel_loop3A_299 = tpu.vector_load %arg11[%parallel_loop3A_297, %parallel_loop3A_298] {strides = array<i32>} : memref<128x64xf32, #tpu.memory_space<vmem>>, vector<16xf32>,
        %parallel_loop3A_300 = arith.constant 8.000000e+00 : f32
        %parallel_loop3A_301 = vector.broadcast %parallel_loop3A_300 : f32 to vector<16xf32>
        %parallel_loop3A_302 = arith.mulf %parallel_loop3A_299, %parallel_loop3A_301 : vector<16xf32>
        %parallel_loop3A_303 = tpu.iota {dimensions = array<i32: 0>} : vector<16xi32>
        %parallel_loop3A_304 = arith.constant 16 : i32
        %parallel_loop3A_305 = vector.broadcast %parallel_loop3A_304 : i32 to vector<16xi32>
        %parallel_loop3A_306 = arith.addi %parallel_loop3A_303, %parallel_loop3A_305 : vector<16xi32>
        %parallel_loop3A_307 = arith.constant 3 : i32
        %parallel_loop3A_308 = vector.broadcast %parallel_loop3A_307 : i32 to vector<16xi32>
        %parallel_loop3A_309 = arith.shrui %parallel_loop3A_306, %parallel_loop3A_308 : vector<16xi32>
        %parallel_loop3A_310 = arith.constant 7 : i32
        %parallel_loop3A_311 = vector.broadcast %parallel_loop3A_310 : i32 to vector<16xi32>
        %parallel_loop3A_312 = arith.andi %parallel_loop3A_306, %parallel_loop3A_311 : vector<16xi32>
        tpu.vector_store_idx %arg15[%parallel_loop3A_309, %parallel_loop3A_312, %parallel_loop3A_280], %parallel_loop3A_302 : memref<8x8x129xf32, #tpu.memory_space<vmem>>[vector<16xi32>, vector<16xi32>, vector<16xi32>], vector<16xf32>,
        %parallel_loop3A_313 = arith.index_cast %parallel_loop3A_279 : i32 to index
        %parallel_loop3A_314 = arith.constant 32 : index
        %parallel_loop3A_315 = tpu.vector_load %arg11[%parallel_loop3A_313, %parallel_loop3A_314] {strides = array<i32>} : memref<128x64xf32, #tpu.memory_space<vmem>>, vector<16xf32>,
        %parallel_loop3A_316 = arith.constant 8.000000e+00 : f32
        %parallel_loop3A_317 = vector.broadcast %parallel_loop3A_316 : f32 to vector<16xf32>
        %parallel_loop3A_318 = arith.mulf %parallel_loop3A_315, %parallel_loop3A_317 : vector<16xf32>
        %parallel_loop3A_319 = tpu.iota {dimensions = array<i32: 0>} : vector<16xi32>
        %parallel_loop3A_320 = arith.constant 32 : i32
        %parallel_loop3A_321 = vector.broadcast %parallel_loop3A_320 : i32 to vector<16xi32>
        %parallel_loop3A_322 = arith.addi %parallel_loop3A_319, %parallel_loop3A_321 : vector<16xi32>
        %parallel_loop3A_323 = arith.constant 3 : i32
        %parallel_loop3A_324 = vector.broadcast %parallel_loop3A_323 : i32 to vector<16xi32>
        %parallel_loop3A_325 = arith.shrui %parallel_loop3A_322, %parallel_loop3A_324 : vector<16xi32>
        %parallel_loop3A_326 = arith.constant 7 : i32
        %parallel_loop3A_327 = vector.broadcast %parallel_loop3A_326 : i32 to vector<16xi32>
        %parallel_loop3A_328 = arith.andi %parallel_loop3A_322, %parallel_loop3A_327 : vector<16xi32>
        tpu.vector_store_idx %arg15[%parallel_loop3A_325, %parallel_loop3A_328, %parallel_loop3A_280], %parallel_loop3A_318 : memref<8x8x129xf32, #tpu.memory_space<vmem>>[vector<16xi32>, vector<16xi32>, vector<16xi32>], vector<16xf32>,
        %parallel_loop3A_329 = arith.index_cast %parallel_loop3A_279 : i32 to index
        %parallel_loop3A_330 = arith.constant 48 : index
        %parallel_loop3A_331 = tpu.vector_load %arg11[%parallel_loop3A_329, %parallel_loop3A_330] {strides = array<i32>} : memref<128x64xf32, #tpu.memory_space<vmem>>, vector<16xf32>,
        %parallel_loop3A_332 = arith.constant 8.000000e+00 : f32
        %parallel_loop3A_333 = vector.broadcast %parallel_loop3A_332 : f32 to vector<16xf32>
        %parallel_loop3A_334 = arith.mulf %parallel_loop3A_331, %parallel_loop3A_333 : vector<16xf32>
        %parallel_loop3A_335 = tpu.iota {dimensions = array<i32: 0>} : vector<16xi32>
        %parallel_loop3A_336 = arith.constant 48 : i32
        %parallel_loop3A_337 = vector.broadcast %parallel_loop3A_336 : i32 to vector<16xi32>
        %parallel_loop3A_338 = arith.addi %parallel_loop3A_335, %parallel_loop3A_337 : vector<16xi32>
        %parallel_loop3A_339 = arith.constant 3 : i32
        %parallel_loop3A_340 = vector.broadcast %parallel_loop3A_339 : i32 to vector<16xi32>
        %parallel_loop3A_341 = arith.shrui %parallel_loop3A_338, %parallel_loop3A_340 : vector<16xi32>
        %parallel_loop3A_342 = arith.constant 7 : i32
        %parallel_loop3A_343 = vector.broadcast %parallel_loop3A_342 : i32 to vector<16xi32>
        %parallel_loop3A_344 = arith.andi %parallel_loop3A_338, %parallel_loop3A_343 : vector<16xi32>
        tpu.vector_store_idx %arg15[%parallel_loop3A_341, %parallel_loop3A_344, %parallel_loop3A_280], %parallel_loop3A_334 : memref<8x8x129xf32, #tpu.memory_space<vmem>>[vector<16xi32>, vector<16xi32>, vector<16xi32>], vector<16xf32>,
      } {sc.loop_unroll_factor = 4 : i64, sc.parallel_access}
      %dma_start3A_180 = arith.constant 0 : i32
      %dma_start3A_181 = arith.constant 0 : i32
      %dma_start3A_182 = arith.constant 0 : i32
      %dma_start3A_183 = tpu.memref_slice %arg15[%dma_start3A_180, %dma_start3A_181, %dma_start3A_182] : memref<8x8x129xf32, #tpu.memory_space<vmem>> -> memref<8x8x128xf32, #tpu.memory_space<vmem>>
      %dma_start3A_184 = arith.constant 0 : i32
      %dma_start3A_185 = arith.constant 0 : i32
      %dma_start3A_186 = arith.constant 0 : i32
      %dma_start3A_187 = tpu.memref_slice %arg4[%add3A_161, %dma_start3A_184, %add3A, %dma_start3A_185, %dma_start3A_186] : memref<200x8x32x8x128xf32, #tpu.memory_space<hbm>> -> memref<1x8x1x8x128xf32, #tpu.memory_space<hbm>>
      %dma_start3A_188 = tpu.memref_squeeze %dma_start3A_187 : memref<1x8x1x8x128xf32, #tpu.memory_space<hbm>> -> memref<8x8x128xf32, #tpu.memory_space<hbm>>
      %dma_start3A_189 = arith.constant 0 : i32
      %dma_start3A_190 = arith.constant 0 : i32
      %dma_start3A_191 = arith.constant 0 : i32
      %dma_start3A_192 = tpu.memref_slice %arg4[%add3A_161, %dma_start3A_189, %add3A, %dma_start3A_190, %dma_start3A_191] : memref<200x8x32x8x128xf32, #tpu.memory_space<hbm>> -> memref<1x8x1x8x128xf32, #tpu.memory_space<hbm>>
      %dma_start3A_193 = tpu.memref_squeeze %dma_start3A_192 : memref<1x8x1x8x128xf32, #tpu.memory_space<hbm>> -> memref<8x8x128xf32, #tpu.memory_space<hbm>>
      %dma_start3A_194 = arith.constant 0 : i32
      %dma_start3A_195 = arith.constant 0 : i32
      %dma_start3A_196 = arith.constant 0 : i32
      %dma_start3A_197 = tpu.memref_slice %arg15[%dma_start3A_194, %dma_start3A_195, %dma_start3A_196] : memref<8x8x129xf32, #tpu.memory_space<vmem>> -> memref<8x8x128xf32, #tpu.memory_space<vmem>>
      tpu.enqueue_dma source(%dma_start3A_197 : memref<8x8x128xf32, #tpu.memory_space<vmem>>) target(%dma_start3A_193 : memref<8x8x128xf32, #tpu.memory_space<hbm>>) target_semaphore(%arg23 : memref<!tpu.dma_semaphore, #tpu.memory_space<semaphore_mem>>)
      %mul3A_198 = arith.constant 4 : i32
      %mul3A_199 = arith.muli %scan3A_121, %mul3A_198 : i32
      %add3A_200 = arith.constant 2 : i32
      %add3A_201 = arith.addi %mul3A_199, %add3A_200 : i32
      %ge3A_202 = arith.constant 3 : i32
      %ge3A_203 = arith.cmpi sge, %add3A_201, %ge3A_202 : i32
      %convert_element_type3A_204 = arith.extui %ge3A_203 : i1 to i32
      %cond3A_205 = arith.constant 0 : i32
      %cond3A_206 = arith.cmpi ne, %convert_element_type3A_204, %cond3A_205 : i32
      scf.if %cond3A_206 {
        %dma_wait3A_279 = arith.constant 0 : i32
        %dma_wait3A_280 = arith.constant 0 : i32
        %dma_wait3A_281 = arith.constant 0 : i32
        %dma_wait3A_282 = arith.constant 0 : i32
        %dma_wait3A_283 = tpu.memref_slice %arg17[%dma_wait3A_280, %dma_wait3A_281, %dma_wait3A_282] : memref<8x8x129xf32, #tpu.memory_space<vmem>> -> memref<8x8x128xf32, #tpu.memory_space<vmem>>
        %dma_wait3A_284 = arith.constant 0 : i32
        %dma_wait3A_285 = arith.constant 0 : i32
        %dma_wait3A_286 = arith.constant 0 : i32
        %dma_wait3A_287 = tpu.memref_slice %arg4[%dma_wait3A_279, %dma_wait3A_284, %add3A, %dma_wait3A_285, %dma_wait3A_286] : memref<200x8x32x8x128xf32, #tpu.memory_space<hbm>> -> memref<1x8x1x8x128xf32, #tpu.memory_space<hbm>>
        %dma_wait3A_288 = tpu.memref_squeeze %dma_wait3A_287 : memref<1x8x1x8x128xf32, #tpu.memory_space<hbm>> -> memref<8x8x128xf32, #tpu.memory_space<hbm>>
        %dma_wait3A_289 = arith.constant 0 : i32
        %dma_wait3A_290 = arith.constant 0 : i32
        %dma_wait3A_291 = arith.constant 0 : i32
        %dma_wait3A_292 = tpu.memref_slice %arg4[%dma_wait3A_279, %dma_wait3A_289, %add3A, %dma_wait3A_290, %dma_wait3A_291] : memref<200x8x32x8x128xf32, #tpu.memory_space<hbm>> -> memref<1x8x1x8x128xf32, #tpu.memory_space<hbm>>
        %dma_wait3A_293 = tpu.memref_squeeze %dma_wait3A_292 : memref<1x8x1x8x128xf32, #tpu.memory_space<hbm>> -> memref<8x8x128xf32, #tpu.memory_space<hbm>>
        %dma_wait3A_294 = arith.constant 0 : i32
        %dma_wait3A_295 = arith.constant 0 : i32
        %dma_wait3A_296 = arith.constant 0 : i32
        %dma_wait3A_297 = tpu.memref_slice %arg17[%dma_wait3A_294, %dma_wait3A_295, %dma_wait3A_296] : memref<8x8x129xf32, #tpu.memory_space<vmem>> -> memref<8x8x128xf32, #tpu.memory_space<vmem>>
        tpu.wait_dma2 semaphore(%arg25 : memref<!tpu.dma_semaphore, #tpu.memory_space<semaphore_mem>>) src(%dma_wait3A_297 : memref<8x8x128xf32, #tpu.memory_space<vmem>>) dst(%dma_wait3A_293 : memref<8x8x128xf32, #tpu.memory_space<hbm>>)
      } else {
      }
      %add3A_207 = arith.constant 1 : i32
      %add3A_208 = arith.addi %add3A_201, %add3A_207 : i32
      %lt3A_209 = arith.constant 200 : i32
      %lt3A_210 = arith.cmpi slt, %add3A_208, %lt3A_209 : i32
      %convert_element_type3A_211 = arith.extui %lt3A_210 : i1 to i32
      %cond3A_212 = arith.constant 0 : i32
      %cond3A_213 = arith.cmpi ne, %convert_element_type3A_211, %cond3A_212 : i32
      scf.if %cond3A_213 {
        %add3A_279 = arith.constant 1 : i32
        %add3A_280 = arith.addi %add3A_201, %add3A_279 : i32
        %broadcast_in_dim3A_281 = vector.broadcast %add3A_280 : i32 to vector<16xi32>
        %iota3A_282 = tpu.iota {dimensions = array<i32: 0>} : vector<16xi32>
        %add3A_283 = arith.constant 0 : i32
        %add3A_284 = vector.broadcast %add3A_283 : i32 to vector<16xi32>
        %add3A_285 = arith.addi %iota3A_282, %add3A_284 : vector<16xi32>
        %gather3A_286 = tpu.vector_load_idx %arg5[%add3A_285, %broadcast_in_dim3A_281] : memref<128x200xi32, #tpu.memory_space<vmem>>[vector<16xi32>, vector<16xi32>], vector<16xi32>,
        %swap3A_287 = arith.constant 0 : index
        %swap3A_288 = tpu.vector_load %arg9[%swap3A_287] {strides = array<i32>} : memref<128xi32, #tpu.memory_space<vmem>>, vector<16xi32>,
        tpu.vector_store %arg9[%swap3A_287], %gather3A_286 {strides = array<i32>} : memref<128xi32, #tpu.memory_space<vmem>>, vector<16xi32>,
        %iota3A_289 = tpu.iota {dimensions = array<i32: 0>} : vector<16xi32>
        %add3A_290 = arith.constant 16 : i32
        %add3A_291 = vector.broadcast %add3A_290 : i32 to vector<16xi32>
        %add3A_292 = arith.addi %iota3A_289, %add3A_291 : vector<16xi32>
        %gather3A_293 = tpu.vector_load_idx %arg5[%add3A_292, %broadcast_in_dim3A_281] : memref<128x200xi32, #tpu.memory_space<vmem>>[vector<16xi32>, vector<16xi32>], vector<16xi32>,
        %swap3A_294 = arith.constant 16 : index
        %swap3A_295 = tpu.vector_load %arg9[%swap3A_294] {strides = array<i32>} : memref<128xi32, #tpu.memory_space<vmem>>, vector<16xi32>,
        tpu.vector_store %arg9[%swap3A_294], %gather3A_293 {strides = array<i32>} : memref<128xi32, #tpu.memory_space<vmem>>, vector<16xi32>,
        %iota3A_296 = tpu.iota {dimensions = array<i32: 0>} : vector<16xi32>
        %add3A_297 = arith.constant 32 : i32
        %add3A_298 = vector.broadcast %add3A_297 : i32 to vector<16xi32>
        %add3A_299 = arith.addi %iota3A_296, %add3A_298 : vector<16xi32>
        %gather3A_300 = tpu.vector_load_idx %arg5[%add3A_299, %broadcast_in_dim3A_281] : memref<128x200xi32, #tpu.memory_space<vmem>>[vector<16xi32>, vector<16xi32>], vector<16xi32>,
        %swap3A_301 = arith.constant 32 : index
        %swap3A_302 = tpu.vector_load %arg9[%swap3A_301] {strides = array<i32>} : memref<128xi32, #tpu.memory_space<vmem>>, vector<16xi32>,
        tpu.vector_store %arg9[%swap3A_301], %gather3A_300 {strides = array<i32>} : memref<128xi32, #tpu.memory_space<vmem>>, vector<16xi32>,
        %iota3A_303 = tpu.iota {dimensions = array<i32: 0>} : vector<16xi32>
        %add3A_304 = arith.constant 48 : i32
        %add3A_305 = vector.broadcast %add3A_304 : i32 to vector<16xi32>
        %add3A_306 = arith.addi %iota3A_303, %add3A_305 : vector<16xi32>
        %gather3A_307 = tpu.vector_load_idx %arg5[%add3A_306, %broadcast_in_dim3A_281] : memref<128x200xi32, #tpu.memory_space<vmem>>[vector<16xi32>, vector<16xi32>], vector<16xi32>,
        %swap3A_308 = arith.constant 48 : index
        %swap3A_309 = tpu.vector_load %arg9[%swap3A_308] {strides = array<i32>} : memref<128xi32, #tpu.memory_space<vmem>>, vector<16xi32>,
        tpu.vector_store %arg9[%swap3A_308], %gather3A_307 {strides = array<i32>} : memref<128xi32, #tpu.memory_space<vmem>>, vector<16xi32>,
        %iota3A_310 = tpu.iota {dimensions = array<i32: 0>} : vector<16xi32>
        %add3A_311 = arith.constant 64 : i32
        %add3A_312 = vector.broadcast %add3A_311 : i32 to vector<16xi32>
        %add3A_313 = arith.addi %iota3A_310, %add3A_312 : vector<16xi32>
        %gather3A_314 = tpu.vector_load_idx %arg5[%add3A_313, %broadcast_in_dim3A_281] : memref<128x200xi32, #tpu.memory_space<vmem>>[vector<16xi32>, vector<16xi32>], vector<16xi32>,
        %swap3A_315 = arith.constant 64 : index
        %swap3A_316 = tpu.vector_load %arg9[%swap3A_315] {strides = array<i32>} : memref<128xi32, #tpu.memory_space<vmem>>, vector<16xi32>,
        tpu.vector_store %arg9[%swap3A_315], %gather3A_314 {strides = array<i32>} : memref<128xi32, #tpu.memory_space<vmem>>, vector<16xi32>,
        %iota3A_317 = tpu.iota {dimensions = array<i32: 0>} : vector<16xi32>
        %add3A_318 = arith.constant 80 : i32
        %add3A_319 = vector.broadcast %add3A_318 : i32 to vector<16xi32>
        %add3A_320 = arith.addi %iota3A_317, %add3A_319 : vector<16xi32>
        %gather3A_321 = tpu.vector_load_idx %arg5[%add3A_320, %broadcast_in_dim3A_281] : memref<128x200xi32, #tpu.memory_space<vmem>>[vector<16xi32>, vector<16xi32>], vector<16xi32>,
        %swap3A_322 = arith.constant 80 : index
        %swap3A_323 = tpu.vector_load %arg9[%swap3A_322] {strides = array<i32>} : memref<128xi32, #tpu.memory_space<vmem>>, vector<16xi32>,
        tpu.vector_store %arg9[%swap3A_322], %gather3A_321 {strides = array<i32>} : memref<128xi32, #tpu.memory_space<vmem>>, vector<16xi32>,
        %iota3A_324 = tpu.iota {dimensions = array<i32: 0>} : vector<16xi32>
        %add3A_325 = arith.constant 96 : i32
        %add3A_326 = vector.broadcast %add3A_325 : i32 to vector<16xi32>
        %add3A_327 = arith.addi %iota3A_324, %add3A_326 : vector<16xi32>
        %gather3A_328 = tpu.vector_load_idx %arg5[%add3A_327, %broadcast_in_dim3A_281] : memref<128x200xi32, #tpu.memory_space<vmem>>[vector<16xi32>, vector<16xi32>], vector<16xi32>,
        %swap3A_329 = arith.constant 96 : index
        %swap3A_330 = tpu.vector_load %arg9[%swap3A_329] {strides = array<i32>} : memref<128xi32, #tpu.memory_space<vmem>>, vector<16xi32>,
        tpu.vector_store %arg9[%swap3A_329], %gather3A_328 {strides = array<i32>} : memref<128xi32, #tpu.memory_space<vmem>>, vector<16xi32>,
        %iota3A_331 = tpu.iota {dimensions = array<i32: 0>} : vector<16xi32>
        %add3A_332 = arith.constant 112 : i32
        %add3A_333 = vector.broadcast %add3A_332 : i32 to vector<16xi32>
        %add3A_334 = arith.addi %iota3A_331, %add3A_333 : vector<16xi32>
        %gather3A_335 = tpu.vector_load_idx %arg5[%add3A_334, %broadcast_in_dim3A_281] : memref<128x200xi32, #tpu.memory_space<vmem>>[vector<16xi32>, vector<16xi32>], vector<16xi32>,
        %swap3A_336 = arith.constant 112 : index
        %swap3A_337 = tpu.vector_load %arg9[%swap3A_336] {strides = array<i32>} : memref<128xi32, #tpu.memory_space<vmem>>, vector<16xi32>,
        tpu.vector_store %arg9[%swap3A_336], %gather3A_335 {strides = array<i32>} : memref<128xi32, #tpu.memory_space<vmem>>, vector<16xi32>,
        %dma_start3A_338 = arith.constant 0 : i32
        %dma_start3A_339 = arith.constant 0 : i32
        %dma_start3A_340 = tpu.memref_slice %arg3[%dma_start3A_338, %dma_start3A_339] : memref<1000000x64xf32, #tpu.memory_space<hbm>> -> memref<1000000x64xf32, #tpu.memory_space<hbm>>
        tpu.enqueue_indirect_dma source(%dma_start3A_340 : memref<1000000x64xf32, #tpu.memory_space<hbm>>) target(%arg13 : memref<128x64xf32, #tpu.memory_space<vmem>>) offsets(%arg9 : memref<128xi32, #tpu.memory_space<vmem>>) semaphore(%arg21 : memref<!tpu.dma_semaphore, #tpu.memory_space<semaphore_mem>>)
      } else {
      }
      %dma_wait3A_214 = arith.constant 0 : i32
      %dma_wait3A_215 = arith.constant 0 : i32
      %dma_wait3A_216 = tpu.memref_slice %arg3[%dma_wait3A_214, %dma_wait3A_215] : memref<1000000x64xf32, #tpu.memory_space<hbm>> -> memref<1000000x64xf32, #tpu.memory_space<hbm>>
      tpu.wait_indirect_dma semaphore(%arg20 : memref<!tpu.dma_semaphore, #tpu.memory_space<semaphore_mem>>) src(%dma_wait3A_216 : memref<1000000x64xf32, #tpu.memory_space<hbm>>) dst(%arg12 : memref<128x64xf32, #tpu.memory_space<vmem>>)
      %parallel_loop3A_217 = arith.constant 0 : i32
      %parallel_loop3A_218 = arith.constant 128 : i32
      %parallel_loop3A_219 = arith.constant 1 : i32
      scf.for %parallel_loop3A_279 = %parallel_loop3A_217 to %parallel_loop3A_218 step %parallel_loop3A_219  : i32 {
        %parallel_loop3A_280 = vector.broadcast %parallel_loop3A_279 : i32 to vector<16xi32>
        %parallel_loop3A_281 = arith.index_cast %parallel_loop3A_279 : i32 to index
        %parallel_loop3A_282 = arith.constant 0 : index
        %parallel_loop3A_283 = tpu.vector_load %arg12[%parallel_loop3A_281, %parallel_loop3A_282] {strides = array<i32>} : memref<128x64xf32, #tpu.memory_space<vmem>>, vector<16xf32>,
        %parallel_loop3A_284 = arith.constant 8.000000e+00 : f32
        %parallel_loop3A_285 = vector.broadcast %parallel_loop3A_284 : f32 to vector<16xf32>
        %parallel_loop3A_286 = arith.mulf %parallel_loop3A_283, %parallel_loop3A_285 : vector<16xf32>
        %parallel_loop3A_287 = tpu.iota {dimensions = array<i32: 0>} : vector<16xi32>
        %parallel_loop3A_288 = arith.constant 0 : i32
        %parallel_loop3A_289 = vector.broadcast %parallel_loop3A_288 : i32 to vector<16xi32>
        %parallel_loop3A_290 = arith.addi %parallel_loop3A_287, %parallel_loop3A_289 : vector<16xi32>
        %parallel_loop3A_291 = arith.constant 3 : i32
        %parallel_loop3A_292 = vector.broadcast %parallel_loop3A_291 : i32 to vector<16xi32>
        %parallel_loop3A_293 = arith.shrui %parallel_loop3A_290, %parallel_loop3A_292 : vector<16xi32>
        %parallel_loop3A_294 = arith.constant 7 : i32
        %parallel_loop3A_295 = vector.broadcast %parallel_loop3A_294 : i32 to vector<16xi32>
        %parallel_loop3A_296 = arith.andi %parallel_loop3A_290, %parallel_loop3A_295 : vector<16xi32>
        tpu.vector_store_idx %arg16[%parallel_loop3A_293, %parallel_loop3A_296, %parallel_loop3A_280], %parallel_loop3A_286 : memref<8x8x129xf32, #tpu.memory_space<vmem>>[vector<16xi32>, vector<16xi32>, vector<16xi32>], vector<16xf32>,
        %parallel_loop3A_297 = arith.index_cast %parallel_loop3A_279 : i32 to index
        %parallel_loop3A_298 = arith.constant 16 : index
        %parallel_loop3A_299 = tpu.vector_load %arg12[%parallel_loop3A_297, %parallel_loop3A_298] {strides = array<i32>} : memref<128x64xf32, #tpu.memory_space<vmem>>, vector<16xf32>,
        %parallel_loop3A_300 = arith.constant 8.000000e+00 : f32
        %parallel_loop3A_301 = vector.broadcast %parallel_loop3A_300 : f32 to vector<16xf32>
        %parallel_loop3A_302 = arith.mulf %parallel_loop3A_299, %parallel_loop3A_301 : vector<16xf32>
        %parallel_loop3A_303 = tpu.iota {dimensions = array<i32: 0>} : vector<16xi32>
        %parallel_loop3A_304 = arith.constant 16 : i32
        %parallel_loop3A_305 = vector.broadcast %parallel_loop3A_304 : i32 to vector<16xi32>
        %parallel_loop3A_306 = arith.addi %parallel_loop3A_303, %parallel_loop3A_305 : vector<16xi32>
        %parallel_loop3A_307 = arith.constant 3 : i32
        %parallel_loop3A_308 = vector.broadcast %parallel_loop3A_307 : i32 to vector<16xi32>
        %parallel_loop3A_309 = arith.shrui %parallel_loop3A_306, %parallel_loop3A_308 : vector<16xi32>
        %parallel_loop3A_310 = arith.constant 7 : i32
        %parallel_loop3A_311 = vector.broadcast %parallel_loop3A_310 : i32 to vector<16xi32>
        %parallel_loop3A_312 = arith.andi %parallel_loop3A_306, %parallel_loop3A_311 : vector<16xi32>
        tpu.vector_store_idx %arg16[%parallel_loop3A_309, %parallel_loop3A_312, %parallel_loop3A_280], %parallel_loop3A_302 : memref<8x8x129xf32, #tpu.memory_space<vmem>>[vector<16xi32>, vector<16xi32>, vector<16xi32>], vector<16xf32>,
        %parallel_loop3A_313 = arith.index_cast %parallel_loop3A_279 : i32 to index
        %parallel_loop3A_314 = arith.constant 32 : index
        %parallel_loop3A_315 = tpu.vector_load %arg12[%parallel_loop3A_313, %parallel_loop3A_314] {strides = array<i32>} : memref<128x64xf32, #tpu.memory_space<vmem>>, vector<16xf32>,
        %parallel_loop3A_316 = arith.constant 8.000000e+00 : f32
        %parallel_loop3A_317 = vector.broadcast %parallel_loop3A_316 : f32 to vector<16xf32>
        %parallel_loop3A_318 = arith.mulf %parallel_loop3A_315, %parallel_loop3A_317 : vector<16xf32>
        %parallel_loop3A_319 = tpu.iota {dimensions = array<i32: 0>} : vector<16xi32>
        %parallel_loop3A_320 = arith.constant 32 : i32
        %parallel_loop3A_321 = vector.broadcast %parallel_loop3A_320 : i32 to vector<16xi32>
        %parallel_loop3A_322 = arith.addi %parallel_loop3A_319, %parallel_loop3A_321 : vector<16xi32>
        %parallel_loop3A_323 = arith.constant 3 : i32
        %parallel_loop3A_324 = vector.broadcast %parallel_loop3A_323 : i32 to vector<16xi32>
        %parallel_loop3A_325 = arith.shrui %parallel_loop3A_322, %parallel_loop3A_324 : vector<16xi32>
        %parallel_loop3A_326 = arith.constant 7 : i32
        %parallel_loop3A_327 = vector.broadcast %parallel_loop3A_326 : i32 to vector<16xi32>
        %parallel_loop3A_328 = arith.andi %parallel_loop3A_322, %parallel_loop3A_327 : vector<16xi32>
        tpu.vector_store_idx %arg16[%parallel_loop3A_325, %parallel_loop3A_328, %parallel_loop3A_280], %parallel_loop3A_318 : memref<8x8x129xf32, #tpu.memory_space<vmem>>[vector<16xi32>, vector<16xi32>, vector<16xi32>], vector<16xf32>,
        %parallel_loop3A_329 = arith.index_cast %parallel_loop3A_279 : i32 to index
        %parallel_loop3A_330 = arith.constant 48 : index
        %parallel_loop3A_331 = tpu.vector_load %arg12[%parallel_loop3A_329, %parallel_loop3A_330] {strides = array<i32>} : memref<128x64xf32, #tpu.memory_space<vmem>>, vector<16xf32>,
        %parallel_loop3A_332 = arith.constant 8.000000e+00 : f32
        %parallel_loop3A_333 = vector.broadcast %parallel_loop3A_332 : f32 to vector<16xf32>
        %parallel_loop3A_334 = arith.mulf %parallel_loop3A_331, %parallel_loop3A_333 : vector<16xf32>
        %parallel_loop3A_335 = tpu.iota {dimensions = array<i32: 0>} : vector<16xi32>
        %parallel_loop3A_336 = arith.constant 48 : i32
        %parallel_loop3A_337 = vector.broadcast %parallel_loop3A_336 : i32 to vector<16xi32>
        %parallel_loop3A_338 = arith.addi %parallel_loop3A_335, %parallel_loop3A_337 : vector<16xi32>
        %parallel_loop3A_339 = arith.constant 3 : i32
        %parallel_loop3A_340 = vector.broadcast %parallel_loop3A_339 : i32 to vector<16xi32>
        %parallel_loop3A_341 = arith.shrui %parallel_loop3A_338, %parallel_loop3A_340 : vector<16xi32>
        %parallel_loop3A_342 = arith.constant 7 : i32
        %parallel_loop3A_343 = vector.broadcast %parallel_loop3A_342 : i32 to vector<16xi32>
        %parallel_loop3A_344 = arith.andi %parallel_loop3A_338, %parallel_loop3A_343 : vector<16xi32>
        tpu.vector_store_idx %arg16[%parallel_loop3A_341, %parallel_loop3A_344, %parallel_loop3A_280], %parallel_loop3A_334 : memref<8x8x129xf32, #tpu.memory_space<vmem>>[vector<16xi32>, vector<16xi32>, vector<16xi32>], vector<16xf32>,
      } {sc.loop_unroll_factor = 4 : i64, sc.parallel_access}
      %dma_start3A_220 = arith.constant 0 : i32
      %dma_start3A_221 = arith.constant 0 : i32
      %dma_start3A_222 = arith.constant 0 : i32
      %dma_start3A_223 = tpu.memref_slice %arg16[%dma_start3A_220, %dma_start3A_221, %dma_start3A_222] : memref<8x8x129xf32, #tpu.memory_space<vmem>> -> memref<8x8x128xf32, #tpu.memory_space<vmem>>
      %dma_start3A_224 = arith.constant 0 : i32
      %dma_start3A_225 = arith.constant 0 : i32
      %dma_start3A_226 = arith.constant 0 : i32
      %dma_start3A_227 = tpu.memref_slice %arg4[%add3A_201, %dma_start3A_224, %add3A, %dma_start3A_225, %dma_start3A_226] : memref<200x8x32x8x128xf32, #tpu.memory_space<hbm>> -> memref<1x8x1x8x128xf32, #tpu.memory_space<hbm>>
      %dma_start3A_228 = tpu.memref_squeeze %dma_start3A_227 : memref<1x8x1x8x128xf32, #tpu.memory_space<hbm>> -> memref<8x8x128xf32, #tpu.memory_space<hbm>>
      %dma_start3A_229 = arith.constant 0 : i32
      %dma_start3A_230 = arith.constant 0 : i32
      %dma_start3A_231 = arith.constant 0 : i32
      %dma_start3A_232 = tpu.memref_slice %arg4[%add3A_201, %dma_start3A_229, %add3A, %dma_start3A_230, %dma_start3A_231] : memref<200x8x32x8x128xf32, #tpu.memory_space<hbm>> -> memref<1x8x1x8x128xf32, #tpu.memory_space<hbm>>
      %dma_start3A_233 = tpu.memref_squeeze %dma_start3A_232 : memref<1x8x1x8x128xf32, #tpu.memory_space<hbm>> -> memref<8x8x128xf32, #tpu.memory_space<hbm>>
      %dma_start3A_234 = arith.constant 0 : i32
      %dma_start3A_235 = arith.constant 0 : i32
      %dma_start3A_236 = arith.constant 0 : i32
      %dma_start3A_237 = tpu.memref_slice %arg16[%dma_start3A_234, %dma_start3A_235, %dma_start3A_236] : memref<8x8x129xf32, #tpu.memory_space<vmem>> -> memref<8x8x128xf32, #tpu.memory_space<vmem>>
      tpu.enqueue_dma source(%dma_start3A_237 : memref<8x8x128xf32, #tpu.memory_space<vmem>>) target(%dma_start3A_233 : memref<8x8x128xf32, #tpu.memory_space<hbm>>) target_semaphore(%arg24 : memref<!tpu.dma_semaphore, #tpu.memory_space<semaphore_mem>>)
      %mul3A_238 = arith.constant 4 : i32
      %mul3A_239 = arith.muli %scan3A_121, %mul3A_238 : i32
      %add3A_240 = arith.constant 3 : i32
      %add3A_241 = arith.addi %mul3A_239, %add3A_240 : i32
      %ge3A_242 = arith.constant 3 : i32
      %ge3A_243 = arith.cmpi sge, %add3A_241, %ge3A_242 : i32
      %convert_element_type3A_244 = arith.extui %ge3A_243 : i1 to i32
      %cond3A_245 = arith.constant 0 : i32
      %cond3A_246 = arith.cmpi ne, %convert_element_type3A_244, %cond3A_245 : i32
      scf.if %cond3A_246 {
        %dma_wait3A_279 = arith.constant 0 : i32
        %dma_wait3A_280 = arith.constant 0 : i32
        %dma_wait3A_281 = arith.constant 0 : i32
        %dma_wait3A_282 = arith.constant 0 : i32
        %dma_wait3A_283 = tpu.memref_slice %arg14[%dma_wait3A_280, %dma_wait3A_281, %dma_wait3A_282] : memref<8x8x129xf32, #tpu.memory_space<vmem>> -> memref<8x8x128xf32, #tpu.memory_space<vmem>>
        %dma_wait3A_284 = arith.constant 0 : i32
        %dma_wait3A_285 = arith.constant 0 : i32
        %dma_wait3A_286 = arith.constant 0 : i32
        %dma_wait3A_287 = tpu.memref_slice %arg4[%dma_wait3A_279, %dma_wait3A_284, %add3A, %dma_wait3A_285, %dma_wait3A_286] : memref<200x8x32x8x128xf32, #tpu.memory_space<hbm>> -> memref<1x8x1x8x128xf32, #tpu.memory_space<hbm>>
        %dma_wait3A_288 = tpu.memref_squeeze %dma_wait3A_287 : memref<1x8x1x8x128xf32, #tpu.memory_space<hbm>> -> memref<8x8x128xf32, #tpu.memory_space<hbm>>
        %dma_wait3A_289 = arith.constant 0 : i32
        %dma_wait3A_290 = arith.constant 0 : i32
        %dma_wait3A_291 = arith.constant 0 : i32
        %dma_wait3A_292 = tpu.memref_slice %arg4[%dma_wait3A_279, %dma_wait3A_289, %add3A, %dma_wait3A_290, %dma_wait3A_291] : memref<200x8x32x8x128xf32, #tpu.memory_space<hbm>> -> memref<1x8x1x8x128xf32, #tpu.memory_space<hbm>>
        %dma_wait3A_293 = tpu.memref_squeeze %dma_wait3A_292 : memref<1x8x1x8x128xf32, #tpu.memory_space<hbm>> -> memref<8x8x128xf32, #tpu.memory_space<hbm>>
        %dma_wait3A_294 = arith.constant 0 : i32
        %dma_wait3A_295 = arith.constant 0 : i32
        %dma_wait3A_296 = arith.constant 0 : i32
        %dma_wait3A_297 = tpu.memref_slice %arg14[%dma_wait3A_294, %dma_wait3A_295, %dma_wait3A_296] : memref<8x8x129xf32, #tpu.memory_space<vmem>> -> memref<8x8x128xf32, #tpu.memory_space<vmem>>
        tpu.wait_dma2 semaphore(%arg22 : memref<!tpu.dma_semaphore, #tpu.memory_space<semaphore_mem>>) src(%dma_wait3A_297 : memref<8x8x128xf32, #tpu.memory_space<vmem>>) dst(%dma_wait3A_293 : memref<8x8x128xf32, #tpu.memory_space<hbm>>)
      } else {
      }
      %add3A_247 = arith.constant 1 : i32
      %add3A_248 = arith.addi %add3A_241, %add3A_247 : i32
      %lt3A_249 = arith.constant 200 : i32
      %lt3A_250 = arith.cmpi slt, %add3A_248, %lt3A_249 : i32
      %convert_element_type3A_251 = arith.extui %lt3A_250 : i1 to i32
      %cond3A_252 = arith.constant 0 : i32
      %cond3A_253 = arith.cmpi ne, %convert_element_type3A_251, %cond3A_252 : i32
      scf.if %cond3A_253 {
        %add3A_279 = arith.constant 1 : i32
        %add3A_280 = arith.addi %add3A_241, %add3A_279 : i32
        %broadcast_in_dim3A_281 = vector.broadcast %add3A_280 : i32 to vector<16xi32>
        %iota3A_282 = tpu.iota {dimensions = array<i32: 0>} : vector<16xi32>
        %add3A_283 = arith.constant 0 : i32
        %add3A_284 = vector.broadcast %add3A_283 : i32 to vector<16xi32>
        %add3A_285 = arith.addi %iota3A_282, %add3A_284 : vector<16xi32>
        %gather3A_286 = tpu.vector_load_idx %arg5[%add3A_285, %broadcast_in_dim3A_281] : memref<128x200xi32, #tpu.memory_space<vmem>>[vector<16xi32>, vector<16xi32>], vector<16xi32>,
        %swap3A_287 = arith.constant 0 : index
        %swap3A_288 = tpu.vector_load %arg6[%swap3A_287] {strides = array<i32>} : memref<128xi32, #tpu.memory_space<vmem>>, vector<16xi32>,
        tpu.vector_store %arg6[%swap3A_287], %gather3A_286 {strides = array<i32>} : memref<128xi32, #tpu.memory_space<vmem>>, vector<16xi32>,
        %iota3A_289 = tpu.iota {dimensions = array<i32: 0>} : vector<16xi32>
        %add3A_290 = arith.constant 16 : i32
        %add3A_291 = vector.broadcast %add3A_290 : i32 to vector<16xi32>
        %add3A_292 = arith.addi %iota3A_289, %add3A_291 : vector<16xi32>
        %gather3A_293 = tpu.vector_load_idx %arg5[%add3A_292, %broadcast_in_dim3A_281] : memref<128x200xi32, #tpu.memory_space<vmem>>[vector<16xi32>, vector<16xi32>], vector<16xi32>,
        %swap3A_294 = arith.constant 16 : index
        %swap3A_295 = tpu.vector_load %arg6[%swap3A_294] {strides = array<i32>} : memref<128xi32, #tpu.memory_space<vmem>>, vector<16xi32>,
        tpu.vector_store %arg6[%swap3A_294], %gather3A_293 {strides = array<i32>} : memref<128xi32, #tpu.memory_space<vmem>>, vector<16xi32>,
        %iota3A_296 = tpu.iota {dimensions = array<i32: 0>} : vector<16xi32>
        %add3A_297 = arith.constant 32 : i32
        %add3A_298 = vector.broadcast %add3A_297 : i32 to vector<16xi32>
        %add3A_299 = arith.addi %iota3A_296, %add3A_298 : vector<16xi32>
        %gather3A_300 = tpu.vector_load_idx %arg5[%add3A_299, %broadcast_in_dim3A_281] : memref<128x200xi32, #tpu.memory_space<vmem>>[vector<16xi32>, vector<16xi32>], vector<16xi32>,
        %swap3A_301 = arith.constant 32 : index
        %swap3A_302 = tpu.vector_load %arg6[%swap3A_301] {strides = array<i32>} : memref<128xi32, #tpu.memory_space<vmem>>, vector<16xi32>,
        tpu.vector_store %arg6[%swap3A_301], %gather3A_300 {strides = array<i32>} : memref<128xi32, #tpu.memory_space<vmem>>, vector<16xi32>,
        %iota3A_303 = tpu.iota {dimensions = array<i32: 0>} : vector<16xi32>
        %add3A_304 = arith.constant 48 : i32
        %add3A_305 = vector.broadcast %add3A_304 : i32 to vector<16xi32>
        %add3A_306 = arith.addi %iota3A_303, %add3A_305 : vector<16xi32>
        %gather3A_307 = tpu.vector_load_idx %arg5[%add3A_306, %broadcast_in_dim3A_281] : memref<128x200xi32, #tpu.memory_space<vmem>>[vector<16xi32>, vector<16xi32>], vector<16xi32>,
        %swap3A_308 = arith.constant 48 : index
        %swap3A_309 = tpu.vector_load %arg6[%swap3A_308] {strides = array<i32>} : memref<128xi32, #tpu.memory_space<vmem>>, vector<16xi32>,
        tpu.vector_store %arg6[%swap3A_308], %gather3A_307 {strides = array<i32>} : memref<128xi32, #tpu.memory_space<vmem>>, vector<16xi32>,
        %iota3A_310 = tpu.iota {dimensions = array<i32: 0>} : vector<16xi32>
        %add3A_311 = arith.constant 64 : i32
        %add3A_312 = vector.broadcast %add3A_311 : i32 to vector<16xi32>
        %add3A_313 = arith.addi %iota3A_310, %add3A_312 : vector<16xi32>
        %gather3A_314 = tpu.vector_load_idx %arg5[%add3A_313, %broadcast_in_dim3A_281] : memref<128x200xi32, #tpu.memory_space<vmem>>[vector<16xi32>, vector<16xi32>], vector<16xi32>,
        %swap3A_315 = arith.constant 64 : index
        %swap3A_316 = tpu.vector_load %arg6[%swap3A_315] {strides = array<i32>} : memref<128xi32, #tpu.memory_space<vmem>>, vector<16xi32>,
        tpu.vector_store %arg6[%swap3A_315], %gather3A_314 {strides = array<i32>} : memref<128xi32, #tpu.memory_space<vmem>>, vector<16xi32>,
        %iota3A_317 = tpu.iota {dimensions = array<i32: 0>} : vector<16xi32>
        %add3A_318 = arith.constant 80 : i32
        %add3A_319 = vector.broadcast %add3A_318 : i32 to vector<16xi32>
        %add3A_320 = arith.addi %iota3A_317, %add3A_319 : vector<16xi32>
        %gather3A_321 = tpu.vector_load_idx %arg5[%add3A_320, %broadcast_in_dim3A_281] : memref<128x200xi32, #tpu.memory_space<vmem>>[vector<16xi32>, vector<16xi32>], vector<16xi32>,
        %swap3A_322 = arith.constant 80 : index
        %swap3A_323 = tpu.vector_load %arg6[%swap3A_322] {strides = array<i32>} : memref<128xi32, #tpu.memory_space<vmem>>, vector<16xi32>,
        tpu.vector_store %arg6[%swap3A_322], %gather3A_321 {strides = array<i32>} : memref<128xi32, #tpu.memory_space<vmem>>, vector<16xi32>,
        %iota3A_324 = tpu.iota {dimensions = array<i32: 0>} : vector<16xi32>
        %add3A_325 = arith.constant 96 : i32
        %add3A_326 = vector.broadcast %add3A_325 : i32 to vector<16xi32>
        %add3A_327 = arith.addi %iota3A_324, %add3A_326 : vector<16xi32>
        %gather3A_328 = tpu.vector_load_idx %arg5[%add3A_327, %broadcast_in_dim3A_281] : memref<128x200xi32, #tpu.memory_space<vmem>>[vector<16xi32>, vector<16xi32>], vector<16xi32>,
        %swap3A_329 = arith.constant 96 : index
        %swap3A_330 = tpu.vector_load %arg6[%swap3A_329] {strides = array<i32>} : memref<128xi32, #tpu.memory_space<vmem>>, vector<16xi32>,
        tpu.vector_store %arg6[%swap3A_329], %gather3A_328 {strides = array<i32>} : memref<128xi32, #tpu.memory_space<vmem>>, vector<16xi32>,
        %iota3A_331 = tpu.iota {dimensions = array<i32: 0>} : vector<16xi32>
        %add3A_332 = arith.constant 112 : i32
        %add3A_333 = vector.broadcast %add3A_332 : i32 to vector<16xi32>
        %add3A_334 = arith.addi %iota3A_331, %add3A_333 : vector<16xi32>
        %gather3A_335 = tpu.vector_load_idx %arg5[%add3A_334, %broadcast_in_dim3A_281] : memref<128x200xi32, #tpu.memory_space<vmem>>[vector<16xi32>, vector<16xi32>], vector<16xi32>,
        %swap3A_336 = arith.constant 112 : index
        %swap3A_337 = tpu.vector_load %arg6[%swap3A_336] {strides = array<i32>} : memref<128xi32, #tpu.memory_space<vmem>>, vector<16xi32>,
        tpu.vector_store %arg6[%swap3A_336], %gather3A_335 {strides = array<i32>} : memref<128xi32, #tpu.memory_space<vmem>>, vector<16xi32>,
        %dma_start3A_338 = arith.constant 0 : i32
        %dma_start3A_339 = arith.constant 0 : i32
        %dma_start3A_340 = tpu.memref_slice %arg3[%dma_start3A_338, %dma_start3A_339] : memref<1000000x64xf32, #tpu.memory_space<hbm>> -> memref<1000000x64xf32, #tpu.memory_space<hbm>>
        tpu.enqueue_indirect_dma source(%dma_start3A_340 : memref<1000000x64xf32, #tpu.memory_space<hbm>>) target(%arg10 : memref<128x64xf32, #tpu.memory_space<vmem>>) offsets(%arg6 : memref<128xi32, #tpu.memory_space<vmem>>) semaphore(%arg18 : memref<!tpu.dma_semaphore, #tpu.memory_space<semaphore_mem>>)
      } else {
      }
      %dma_wait3A_254 = arith.constant 0 : i32
      %dma_wait3A_255 = arith.constant 0 : i32
      %dma_wait3A_256 = tpu.memref_slice %arg3[%dma_wait3A_254, %dma_wait3A_255] : memref<1000000x64xf32, #tpu.memory_space<hbm>> -> memref<1000000x64xf32, #tpu.memory_space<hbm>>
      tpu.wait_indirect_dma semaphore(%arg21 : memref<!tpu.dma_semaphore, #tpu.memory_space<semaphore_mem>>) src(%dma_wait3A_256 : memref<1000000x64xf32, #tpu.memory_space<hbm>>) dst(%arg13 : memref<128x64xf32, #tpu.memory_space<vmem>>)
      %parallel_loop3A_257 = arith.constant 0 : i32
      %parallel_loop3A_258 = arith.constant 128 : i32
      %parallel_loop3A_259 = arith.constant 1 : i32
      scf.for %parallel_loop3A_279 = %parallel_loop3A_257 to %parallel_loop3A_258 step %parallel_loop3A_259  : i32 {
        %parallel_loop3A_280 = vector.broadcast %parallel_loop3A_279 : i32 to vector<16xi32>
        %parallel_loop3A_281 = arith.index_cast %parallel_loop3A_279 : i32 to index
        %parallel_loop3A_282 = arith.constant 0 : index
        %parallel_loop3A_283 = tpu.vector_load %arg13[%parallel_loop3A_281, %parallel_loop3A_282] {strides = array<i32>} : memref<128x64xf32, #tpu.memory_space<vmem>>, vector<16xf32>,
        %parallel_loop3A_284 = arith.constant 8.000000e+00 : f32
        %parallel_loop3A_285 = vector.broadcast %parallel_loop3A_284 : f32 to vector<16xf32>
        %parallel_loop3A_286 = arith.mulf %parallel_loop3A_283, %parallel_loop3A_285 : vector<16xf32>
        %parallel_loop3A_287 = tpu.iota {dimensions = array<i32: 0>} : vector<16xi32>
        %parallel_loop3A_288 = arith.constant 0 : i32
        %parallel_loop3A_289 = vector.broadcast %parallel_loop3A_288 : i32 to vector<16xi32>
        %parallel_loop3A_290 = arith.addi %parallel_loop3A_287, %parallel_loop3A_289 : vector<16xi32>
        %parallel_loop3A_291 = arith.constant 3 : i32
        %parallel_loop3A_292 = vector.broadcast %parallel_loop3A_291 : i32 to vector<16xi32>
        %parallel_loop3A_293 = arith.shrui %parallel_loop3A_290, %parallel_loop3A_292 : vector<16xi32>
        %parallel_loop3A_294 = arith.constant 7 : i32
        %parallel_loop3A_295 = vector.broadcast %parallel_loop3A_294 : i32 to vector<16xi32>
        %parallel_loop3A_296 = arith.andi %parallel_loop3A_290, %parallel_loop3A_295 : vector<16xi32>
        tpu.vector_store_idx %arg17[%parallel_loop3A_293, %parallel_loop3A_296, %parallel_loop3A_280], %parallel_loop3A_286 : memref<8x8x129xf32, #tpu.memory_space<vmem>>[vector<16xi32>, vector<16xi32>, vector<16xi32>], vector<16xf32>,
        %parallel_loop3A_297 = arith.index_cast %parallel_loop3A_279 : i32 to index
        %parallel_loop3A_298 = arith.constant 16 : index
        %parallel_loop3A_299 = tpu.vector_load %arg13[%parallel_loop3A_297, %parallel_loop3A_298] {strides = array<i32>} : memref<128x64xf32, #tpu.memory_space<vmem>>, vector<16xf32>,
        %parallel_loop3A_300 = arith.constant 8.000000e+00 : f32
        %parallel_loop3A_301 = vector.broadcast %parallel_loop3A_300 : f32 to vector<16xf32>
        %parallel_loop3A_302 = arith.mulf %parallel_loop3A_299, %parallel_loop3A_301 : vector<16xf32>
        %parallel_loop3A_303 = tpu.iota {dimensions = array<i32: 0>} : vector<16xi32>
        %parallel_loop3A_304 = arith.constant 16 : i32
        %parallel_loop3A_305 = vector.broadcast %parallel_loop3A_304 : i32 to vector<16xi32>
        %parallel_loop3A_306 = arith.addi %parallel_loop3A_303, %parallel_loop3A_305 : vector<16xi32>
        %parallel_loop3A_307 = arith.constant 3 : i32
        %parallel_loop3A_308 = vector.broadcast %parallel_loop3A_307 : i32 to vector<16xi32>
        %parallel_loop3A_309 = arith.shrui %parallel_loop3A_306, %parallel_loop3A_308 : vector<16xi32>
        %parallel_loop3A_310 = arith.constant 7 : i32
        %parallel_loop3A_311 = vector.broadcast %parallel_loop3A_310 : i32 to vector<16xi32>
        %parallel_loop3A_312 = arith.andi %parallel_loop3A_306, %parallel_loop3A_311 : vector<16xi32>
        tpu.vector_store_idx %arg17[%parallel_loop3A_309, %parallel_loop3A_312, %parallel_loop3A_280], %parallel_loop3A_302 : memref<8x8x129xf32, #tpu.memory_space<vmem>>[vector<16xi32>, vector<16xi32>, vector<16xi32>], vector<16xf32>,
        %parallel_loop3A_313 = arith.index_cast %parallel_loop3A_279 : i32 to index
        %parallel_loop3A_314 = arith.constant 32 : index
        %parallel_loop3A_315 = tpu.vector_load %arg13[%parallel_loop3A_313, %parallel_loop3A_314] {strides = array<i32>} : memref<128x64xf32, #tpu.memory_space<vmem>>, vector<16xf32>,
        %parallel_loop3A_316 = arith.constant 8.000000e+00 : f32
        %parallel_loop3A_317 = vector.broadcast %parallel_loop3A_316 : f32 to vector<16xf32>
        %parallel_loop3A_318 = arith.mulf %parallel_loop3A_315, %parallel_loop3A_317 : vector<16xf32>
        %parallel_loop3A_319 = tpu.iota {dimensions = array<i32: 0>} : vector<16xi32>
        %parallel_loop3A_320 = arith.constant 32 : i32
        %parallel_loop3A_321 = vector.broadcast %parallel_loop3A_320 : i32 to vector<16xi32>
        %parallel_loop3A_322 = arith.addi %parallel_loop3A_319, %parallel_loop3A_321 : vector<16xi32>
        %parallel_loop3A_323 = arith.constant 3 : i32
        %parallel_loop3A_324 = vector.broadcast %parallel_loop3A_323 : i32 to vector<16xi32>
        %parallel_loop3A_325 = arith.shrui %parallel_loop3A_322, %parallel_loop3A_324 : vector<16xi32>
        %parallel_loop3A_326 = arith.constant 7 : i32
        %parallel_loop3A_327 = vector.broadcast %parallel_loop3A_326 : i32 to vector<16xi32>
        %parallel_loop3A_328 = arith.andi %parallel_loop3A_322, %parallel_loop3A_327 : vector<16xi32>
        tpu.vector_store_idx %arg17[%parallel_loop3A_325, %parallel_loop3A_328, %parallel_loop3A_280], %parallel_loop3A_318 : memref<8x8x129xf32, #tpu.memory_space<vmem>>[vector<16xi32>, vector<16xi32>, vector<16xi32>], vector<16xf32>,
        %parallel_loop3A_329 = arith.index_cast %parallel_loop3A_279 : i32 to index
        %parallel_loop3A_330 = arith.constant 48 : index
        %parallel_loop3A_331 = tpu.vector_load %arg13[%parallel_loop3A_329, %parallel_loop3A_330] {strides = array<i32>} : memref<128x64xf32, #tpu.memory_space<vmem>>, vector<16xf32>,
        %parallel_loop3A_332 = arith.constant 8.000000e+00 : f32
        %parallel_loop3A_333 = vector.broadcast %parallel_loop3A_332 : f32 to vector<16xf32>
        %parallel_loop3A_334 = arith.mulf %parallel_loop3A_331, %parallel_loop3A_333 : vector<16xf32>
        %parallel_loop3A_335 = tpu.iota {dimensions = array<i32: 0>} : vector<16xi32>
        %parallel_loop3A_336 = arith.constant 48 : i32
        %parallel_loop3A_337 = vector.broadcast %parallel_loop3A_336 : i32 to vector<16xi32>
        %parallel_loop3A_338 = arith.addi %parallel_loop3A_335, %parallel_loop3A_337 : vector<16xi32>
        %parallel_loop3A_339 = arith.constant 3 : i32
        %parallel_loop3A_340 = vector.broadcast %parallel_loop3A_339 : i32 to vector<16xi32>
        %parallel_loop3A_341 = arith.shrui %parallel_loop3A_338, %parallel_loop3A_340 : vector<16xi32>
        %parallel_loop3A_342 = arith.constant 7 : i32
        %parallel_loop3A_343 = vector.broadcast %parallel_loop3A_342 : i32 to vector<16xi32>
        %parallel_loop3A_344 = arith.andi %parallel_loop3A_338, %parallel_loop3A_343 : vector<16xi32>
        tpu.vector_store_idx %arg17[%parallel_loop3A_341, %parallel_loop3A_344, %parallel_loop3A_280], %parallel_loop3A_334 : memref<8x8x129xf32, #tpu.memory_space<vmem>>[vector<16xi32>, vector<16xi32>, vector<16xi32>], vector<16xf32>,
      } {sc.loop_unroll_factor = 4 : i64, sc.parallel_access}
      %dma_start3A_260 = arith.constant 0 : i32
      %dma_start3A_261 = arith.constant 0 : i32
      %dma_start3A_262 = arith.constant 0 : i32
      %dma_start3A_263 = tpu.memref_slice %arg17[%dma_start3A_260, %dma_start3A_261, %dma_start3A_262] : memref<8x8x129xf32, #tpu.memory_space<vmem>> -> memref<8x8x128xf32, #tpu.memory_space<vmem>>
      %dma_start3A_264 = arith.constant 0 : i32
      %dma_start3A_265 = arith.constant 0 : i32
      %dma_start3A_266 = arith.constant 0 : i32
      %dma_start3A_267 = tpu.memref_slice %arg4[%add3A_241, %dma_start3A_264, %add3A, %dma_start3A_265, %dma_start3A_266] : memref<200x8x32x8x128xf32, #tpu.memory_space<hbm>> -> memref<1x8x1x8x128xf32, #tpu.memory_space<hbm>>
      %dma_start3A_268 = tpu.memref_squeeze %dma_start3A_267 : memref<1x8x1x8x128xf32, #tpu.memory_space<hbm>> -> memref<8x8x128xf32, #tpu.memory_space<hbm>>
      %dma_start3A_269 = arith.constant 0 : i32
      %dma_start3A_270 = arith.constant 0 : i32
      %dma_start3A_271 = arith.constant 0 : i32
      %dma_start3A_272 = tpu.memref_slice %arg4[%add3A_241, %dma_start3A_269, %add3A, %dma_start3A_270, %dma_start3A_271] : memref<200x8x32x8x128xf32, #tpu.memory_space<hbm>> -> memref<1x8x1x8x128xf32, #tpu.memory_space<hbm>>
      %dma_start3A_273 = tpu.memref_squeeze %dma_start3A_272 : memref<1x8x1x8x128xf32, #tpu.memory_space<hbm>> -> memref<8x8x128xf32, #tpu.memory_space<hbm>>
      %dma_start3A_274 = arith.constant 0 : i32
      %dma_start3A_275 = arith.constant 0 : i32
      %dma_start3A_276 = arith.constant 0 : i32
      %dma_start3A_277 = tpu.memref_slice %arg17[%dma_start3A_274, %dma_start3A_275, %dma_start3A_276] : memref<8x8x129xf32, #tpu.memory_space<vmem>> -> memref<8x8x128xf32, #tpu.memory_space<vmem>>
      tpu.enqueue_dma source(%dma_start3A_277 : memref<8x8x128xf32, #tpu.memory_space<vmem>>) target(%dma_start3A_273 : memref<8x8x128xf32, #tpu.memory_space<hbm>>) target_semaphore(%arg25 : memref<!tpu.dma_semaphore, #tpu.memory_space<semaphore_mem>>)
      %scan3A_278 = arith.constant 0 : i32
      scf.yield %scan3A_278 : i32
    }
    %scan3A_64 = arith.constant 50 : i32
    %dma_wait3A = arith.constant 0 : i32
    %dma_wait3A_65 = arith.constant 0 : i32
    %dma_wait3A_66 = arith.constant 0 : i32
    %dma_wait3A_67 = arith.constant 0 : i32
    %dma_wait3A_68 = tpu.memref_slice %arg17[%dma_wait3A_65, %dma_wait3A_66, %dma_wait3A_67] : memref<8x8x129xf32, #tpu.memory_space<vmem>> -> memref<8x8x128xf32, #tpu.memory_space<vmem>>
    %dma_wait3A_69 = arith.constant 0 : i32
    %dma_wait3A_70 = arith.constant 0 : i32
    %dma_wait3A_71 = arith.constant 0 : i32
    %dma_wait3A_72 = tpu.memref_slice %arg4[%dma_wait3A, %dma_wait3A_69, %add3A, %dma_wait3A_70, %dma_wait3A_71] : memref<200x8x32x8x128xf32, #tpu.memory_space<hbm>> -> memref<1x8x1x8x128xf32, #tpu.memory_space<hbm>>
    %dma_wait3A_73 = tpu.memref_squeeze %dma_wait3A_72 : memref<1x8x1x8x128xf32, #tpu.memory_space<hbm>> -> memref<8x8x128xf32, #tpu.memory_space<hbm>>
    %dma_wait3A_74 = arith.constant 0 : i32
    %dma_wait3A_75 = arith.constant 0 : i32
    %dma_wait3A_76 = arith.constant 0 : i32
    %dma_wait3A_77 = tpu.memref_slice %arg4[%dma_wait3A, %dma_wait3A_74, %add3A, %dma_wait3A_75, %dma_wait3A_76] : memref<200x8x32x8x128xf32, #tpu.memory_space<hbm>> -> memref<1x8x1x8x128xf32, #tpu.memory_space<hbm>>
    %dma_wait3A_78 = tpu.memref_squeeze %dma_wait3A_77 : memref<1x8x1x8x128xf32, #tpu.memory_space<hbm>> -> memref<8x8x128xf32, #tpu.memory_space<hbm>>
    %dma_wait3A_79 = arith.constant 0 : i32
    %dma_wait3A_80 = arith.constant 0 : i32
    %dma_wait3A_81 = arith.constant 0 : i32
    %dma_wait3A_82 = tpu.memref_slice %arg17[%dma_wait3A_79, %dma_wait3A_80, %dma_wait3A_81] : memref<8x8x129xf32, #tpu.memory_space<vmem>> -> memref<8x8x128xf32, #tpu.memory_space<vmem>>
    tpu.wait_dma2 semaphore(%arg25 : memref<!tpu.dma_semaphore, #tpu.memory_space<semaphore_mem>>) src(%dma_wait3A_82 : memref<8x8x128xf32, #tpu.memory_space<vmem>>) dst(%dma_wait3A_78 : memref<8x8x128xf32, #tpu.memory_space<hbm>>)
    %dma_wait3A_83 = arith.constant 0 : i32
    %dma_wait3A_84 = arith.constant 0 : i32
    %dma_wait3A_85 = arith.constant 0 : i32
    %dma_wait3A_86 = arith.constant 0 : i32
    %dma_wait3A_87 = tpu.memref_slice %arg16[%dma_wait3A_84, %dma_wait3A_85, %dma_wait3A_86] : memref<8x8x129xf32, #tpu.memory_space<vmem>> -> memref<8x8x128xf32, #tpu.memory_space<vmem>>
    %dma_wait3A_88 = arith.constant 0 : i32
    %dma_wait3A_89 = arith.constant 0 : i32
    %dma_wait3A_90 = arith.constant 0 : i32
    %dma_wait3A_91 = tpu.memref_slice %arg4[%dma_wait3A_83, %dma_wait3A_88, %add3A, %dma_wait3A_89, %dma_wait3A_90] : memref<200x8x32x8x128xf32, #tpu.memory_space<hbm>> -> memref<1x8x1x8x128xf32, #tpu.memory_space<hbm>>
    %dma_wait3A_92 = tpu.memref_squeeze %dma_wait3A_91 : memref<1x8x1x8x128xf32, #tpu.memory_space<hbm>> -> memref<8x8x128xf32, #tpu.memory_space<hbm>>
    %dma_wait3A_93 = arith.constant 0 : i32
    %dma_wait3A_94 = arith.constant 0 : i32
    %dma_wait3A_95 = arith.constant 0 : i32
    %dma_wait3A_96 = tpu.memref_slice %arg4[%dma_wait3A_83, %dma_wait3A_93, %add3A, %dma_wait3A_94, %dma_wait3A_95] : memref<200x8x32x8x128xf32, #tpu.memory_space<hbm>> -> memref<1x8x1x8x128xf32, #tpu.memory_space<hbm>>
    %dma_wait3A_97 = tpu.memref_squeeze %dma_wait3A_96 : memref<1x8x1x8x128xf32, #tpu.memory_space<hbm>> -> memref<8x8x128xf32, #tpu.memory_space<hbm>>
    %dma_wait3A_98 = arith.constant 0 : i32
    %dma_wait3A_99 = arith.constant 0 : i32
    %dma_wait3A_100 = arith.constant 0 : i32
    %dma_wait3A_101 = tpu.memref_slice %arg16[%dma_wait3A_98, %dma_wait3A_99, %dma_wait3A_100] : memref<8x8x129xf32, #tpu.memory_space<vmem>> -> memref<8x8x128xf32, #tpu.memory_space<vmem>>
    tpu.wait_dma2 semaphore(%arg24 : memref<!tpu.dma_semaphore, #tpu.memory_space<semaphore_mem>>) src(%dma_wait3A_101 : memref<8x8x128xf32, #tpu.memory_space<vmem>>) dst(%dma_wait3A_97 : memref<8x8x128xf32, #tpu.memory_space<hbm>>)
    %dma_wait3A_102 = arith.constant 0 : i32
    %dma_wait3A_103 = arith.constant 0 : i32
    %dma_wait3A_104 = arith.constant 0 : i32
    %dma_wait3A_105 = arith.constant 0 : i32
    %dma_wait3A_106 = tpu.memref_slice %arg15[%dma_wait3A_103, %dma_wait3A_104, %dma_wait3A_105] : memref<8x8x129xf32, #tpu.memory_space<vmem>> -> memref<8x8x128xf32, #tpu.memory_space<vmem>>
    %dma_wait3A_107 = arith.constant 0 : i32
    %dma_wait3A_108 = arith.constant 0 : i32
    %dma_wait3A_109 = arith.constant 0 : i32
    %dma_wait3A_110 = tpu.memref_slice %arg4[%dma_wait3A_102, %dma_wait3A_107, %add3A, %dma_wait3A_108, %dma_wait3A_109] : memref<200x8x32x8x128xf32, #tpu.memory_space<hbm>> -> memref<1x8x1x8x128xf32, #tpu.memory_space<hbm>>
    %dma_wait3A_111 = tpu.memref_squeeze %dma_wait3A_110 : memref<1x8x1x8x128xf32, #tpu.memory_space<hbm>> -> memref<8x8x128xf32, #tpu.memory_space<hbm>>
    %dma_wait3A_112 = arith.constant 0 : i32
    %dma_wait3A_113 = arith.constant 0 : i32
    %dma_wait3A_114 = arith.constant 0 : i32
    %dma_wait3A_115 = tpu.memref_slice %arg4[%dma_wait3A_102, %dma_wait3A_112, %add3A, %dma_wait3A_113, %dma_wait3A_114] : memref<200x8x32x8x128xf32, #tpu.memory_space<hbm>> -> memref<1x8x1x8x128xf32, #tpu.memory_space<hbm>>
    %dma_wait3A_116 = tpu.memref_squeeze %dma_wait3A_115 : memref<1x8x1x8x128xf32, #tpu.memory_space<hbm>> -> memref<8x8x128xf32, #tpu.memory_space<hbm>>
    %dma_wait3A_117 = arith.constant 0 : i32
    %dma_wait3A_118 = arith.constant 0 : i32
    %dma_wait3A_119 = arith.constant 0 : i32
    %dma_wait3A_120 = tpu.memref_slice %arg15[%dma_wait3A_117, %dma_wait3A_118, %dma_wait3A_119] : memref<8x8x129xf32, #tpu.memory_space<vmem>> -> memref<8x8x128xf32, #tpu.memory_space<vmem>>
    tpu.wait_dma2 semaphore(%arg23 : memref<!tpu.dma_semaphore, #tpu.memory_space<semaphore_mem>>) src(%dma_wait3A_120 : memref<8x8x128xf32, #tpu.memory_space<vmem>>) dst(%dma_wait3A_116 : memref<8x8x128xf32, #tpu.memory_space<hbm>>)
    return
  }
}

</mosaic_0001>

<sc_bundles>
// kernel: kernel.3.cloned.1.call-start
scs
__scs_entry_jumppad:
0x0: {  	(pc) =	sbr.rel $0x88, $3  }
0x1: {  	(tag) =	ssettag $0x0;
	lr =	simm.s32 $0x1  }
0x2: {  	[smem:$0x3F9F] =	sst lr;
	_ =	strace $0xD0000000  }
0x3: {  	_ = 	snop  }
0x4: {  	_ = 	snop  }
0x5: {  	_ = 	snop  }
0x6: {  	_ = 	snop  }
0x7: {  	_ = 	snop  }
__scs_overlays_trampoline_lowered:
0x8: {  	[smem:$0x3FAE] =	sst s0  }
0x9: {  	[smem:$0x3FAF] =	sst s1  }
0xa: {  	[smem:$0x3FB0] =	sst s2  }
0xb: {  	[smem:$0x3FB1] =	sst s3  }
0xc: {  	[smem:$0x3FB2] =	sst s4  }
0xd: {  	[smem:$0x3FB3] =	sst s5  }
0xe: {  	[smem:$0x3FB4] =	sst s6  }
0xf: {  	[smem:$0x3FB5] =	sst s7  }
0x10: {  	[smem:$0x3FB6] =	sst s8  }
0x11: {  	[smem:$0x3FB7] =	sst s9;
	s0 =	simm.s32 @!p0 $0x0  }
0x12: {  	s1 =	sld [smem:$0x3F9D];
	s0 =	simm.s32 @p0 $0x1  }
0x13: {  	[smem:$0x3FB8] =	sst s0;
	s0 =	simm.s32 @!p1 $0x0  }
0x14: {  	s2 =	sld [smem:$0x3F9C];
	s0 =	simm.s32 @p1 $0x1  }
0x15: {  	[smem:$0x3FB9] =	sst s0;
	s0 =	simm.s32 @!p2 $0x0  }
0x16: {  	s3 =	sld [smem:$0x3FDB];
	s0 =	simm.s32 @p2 $0x1  }
0x17: {  	s4 =	simm.s32 $0x1BF5;
	[smem:$0x3FBB] =	sst s0  }
0x18: {  	s0 =	sld [smem:$0x3F9E];
	_ =	swait.ge [sflag:s4], $0x0  }
0x19: {  	s7 =	sld [smem:$0x3F9F]  }
0x1a: {  	s8 =	sadd.s32 $0xFFFFE003, lr  }
0x1b: {  	s9 =	sadd.s32 $0xFFFFFEF7, lr;
	s5 =	simm.s32 $0xFFFFFFFF;
	p2 =	slt.u32 s8, $0xFFFFF086  }
0x1c: {  	p1 =	slt.u32 s9, $0xF7A;
	s5 =	simm.s32 @!p2 $0x0  }
0x1d: {  	s5 =	simm.s32 @p1 $0x1;
	p0 =	seq.s32 s7, s2  }
0x1e: {  	s7 =	smul.u32 @!p0 $0xF7A, s2;
	p2 =	seq.s32 @!p0 s5, $0x0  }
0x1f: {  	s9 =	smul.u32 $0xF7A, s1;
	s8 =	simm.s32 @!p0 $0x1BF5;
	p2 =	por !p2, p0  }
0x20: {  	[sflag:s8] =	ssyncset.s32 @!p0 $0xFFFFF086;
	s6 =	sadd.s32 @!p0 s3, s7;
	s7 =	simm.s32 @!p0 $0x108  }
0x21: {  	s3 =	sadd.s32 s3, s9;
	s6 =	sadd.s32 @!p0 $0x88, s6;
	s7 =	simm.s32 @p2 $0x1082  }
0x22: {  	[simem:s7], [sflag:s8] =	dma.local @!p0 [hbm:s6], $0xF7A  }
0x23: {  	s9 =	sor.u32 $0xD0000000, s2;
	s6 =	simm.s32 $0x108;
	_ =	swait.ge @!p0 [sflag:s8], $0x0  }
0x24: {  	s3 =	sadd.s32 $0x88, s3;
	s6 =	simm.s32 @!p1 $0x1082;
	[sflag:s4] =	ssyncset.s32 $0xFFFFF086  }
0x25: {  	[simem:s6], [sflag:s4] =	dma.local [hbm:s3], $0xF7A  }
0x26: {  	[smem:$0x3F9F] =	sst s1;
	(tag) =	ssettag s2;
	_ =	strace s9  }
0x27: {  	s1 =	sld [smem:$0x3FAF]  }
0x28: {  	s2 =	sld [smem:$0x3FB0]  }
0x29: {  	s4 =	sld [smem:$0x3FB2]  }
0x2a: {  	p0 =	seq.s32 s5, $0x0;
	s5 =	sld [smem:$0x3FB3]  }
0x2b: {  	s6 =	sld [smem:$0x3FB4]  }
0x2c: {  	s7 =	sld [smem:$0x3FB5]  }
0x2d: {  	s3 =	simm.s32 $0x108;
	s8 =	sld [smem:$0x3FB6]  }
0x2e: {  	s3 =	simm.s32 @!p0 $0x1082;
	s9 =	sld [smem:$0x3FB7]  }
0x2f: {  	lr =	sadd.s32 s0, s3;
	s0 =	sld [smem:$0x3FAE]  }
0x30: {  	s3 =	sld [smem:$0x3FB1]  }
0x31: {  	[smem:$0x3FBA] =	sst s10  }
0x32: {  	s10 =	sld [smem:$0x3FB8];
	_ =	sdelay $0x3  }
0x33: {  	p0 =	seq.s32 s10, $0x1;
	s10 =	sld [smem:$0x3FBA];
	_ =	sdelay $0x3  }
0x34: {  	[smem:$0x3FBA] =	sst s10  }
0x35: {  	s10 =	sld [smem:$0x3FB9];
	_ =	sdelay $0x3  }
0x36: {  	p1 =	seq.s32 s10, $0x1;
	s10 =	sld [smem:$0x3FBA];
	_ =	sdelay $0x3  }
0x37: {  	[smem:$0x3FBA] =	sst s10  }
0x38: {  	s10 =	sld [smem:$0x3FBB]  }
0x39: {  	_ = 	snop;
	(pc) =	sbr.ind lr, $3  }
0x3a: {  	_ = 	snop  }
0x3b: {  	_ = 	snop  }
0x3c: {  	p2 =	seq.s32 s10, $0x1;
	s10 =	sld [smem:$0x3FBA]  }
0x3d: {  	_ =	shalt  }
0x3e: {  	_ =	shalt  }
0x3f: {  	_ =	shalt  }
0x40: {  	_ =	shalt  }
0x41: {  	_ =	shalt  }
0x42: {  	_ =	shalt  }
0x43: {  	_ =	shalt  }
0x44: {  	_ =	shalt  }
0x45: {  	_ =	shalt  }
0x46: {  	_ =	shalt  }
0x47: {  	_ =	shalt  }
0x48: {  	_ =	shalt  }
0x49: {  	_ =	shalt  }
0x4a: {  	_ =	shalt  }
0x4b: {  	_ =	shalt  }
0x4c: {  	_ =	shalt  }
0x4d: {  	_ =	shalt  }
0x4e: {  	_ =	shalt  }
0x4f: {  	_ =	shalt  }
0x50: {  	_ =	shalt  }
0x51: {  	_ =	shalt  }
0x52: {  	_ =	shalt  }
0x53: {  	_ =	shalt  }
0x54: {  	_ =	shalt  }
0x55: {  	_ =	shalt  }
0x56: {  	_ =	shalt  }
0x57: {  	_ =	shalt  }
0x58: {  	_ =	shalt  }
0x59: {  	_ =	shalt  }
0x5a: {  	_ =	shalt  }
0x5b: {  	_ =	shalt  }
0x5c: {  	_ =	shalt  }
0x5d: {  	_ =	shalt  }
0x5e: {  	_ =	shalt  }
0x5f: {  	_ =	shalt  }
0x60: {  	_ =	shalt  }
0x61: {  	_ =	shalt  }
0x62: {  	_ =	shalt  }
0x63: {  	_ =	shalt  }
0x64: {  	_ =	shalt  }
0x65: {  	_ =	shalt  }
0x66: {  	_ =	shalt  }
0x67: {  	_ =	shalt  }
0x68: {  	_ =	shalt  }
0x69: {  	_ =	shalt  }
0x6a: {  	_ =	shalt  }
0x6b: {  	_ =	shalt  }
0x6c: {  	_ =	shalt  }
0x6d: {  	_ =	shalt  }
0x6e: {  	_ =	shalt  }
0x6f: {  	_ =	shalt  }
0x70: {  	_ =	shalt  }
0x71: {  	_ =	shalt  }
0x72: {  	_ =	shalt  }
0x73: {  	_ =	shalt  }
0x74: {  	_ =	shalt  }
0x75: {  	_ =	shalt  }
0x76: {  	_ =	shalt  }
0x77: {  	_ =	shalt  }
0x78: {  	_ =	shalt  }
0x79: {  	_ =	shalt  }
0x7a: {  	_ =	shalt  }
0x7b: {  	_ =	shalt  }
0x7c: {  	_ =	shalt  }
0x7d: {  	_ =	shalt  }
0x7e: {  	_ =	shalt  }
0x7f: {  	_ =	shalt  }
0x80: {  	_ =	shalt  }
0x81: {  	_ =	shalt  }
0x82: {  	_ =	shalt  }
0x83: {  	_ =	shalt  }
0x84: {  	_ =	shalt  }
0x85: {  	_ =	shalt  }
0x86: {  	_ =	shalt  }
0x87: {  	_ =	shalt  }
.Lfunc_end0:
.L_simem_size_0:
called_computation_lowered:
.L_overlay_start_0:
0x88: {  	s2 =	sld [smem:$0x3FD9]  }
0x89: {  	s3 =	sld [smem:$0x3FFE];
	_ =	sdelay $0x1  }
0x8a: {  	s1 =	srdreg.scid  }
0x8b: {  	s0 =	sand.u32 $0x1, s1  }
0x8c: {  	s17 =	sshll.u32 s0, $0xA;
	s2 =	sadd.s32 s3, s2  }
0x8d: {  	s2 =	sadd.s32 s2, s17  }
0x8e: {  	[smem:$0x3FC6] =	sst s2  }
0x8f: {  	_ = 	snop  }
0x90: {  	s2 =	sld [smem:$0x3FD0];
	(tm) =	ssettm $0x1  }
0x91: {  	s18 =	sld [smem:$0x3FFB];
	_ =	sdelay $0x3  }
0x92: {  	_ =	strace s18  }
0x93: {  	s3 =	sld [smem:$0x3FFC];
	_ =	sdelay $0x3  }
0x94: {  	_ =	strace s3  }
0x95: {  	s3 =	sld [smem:$0x3FFD];
	_ =	sdelay $0x3  }
0x96: {  	_ =	strace s3  }
0x97: {  	_ =	strace $0x8FFFFFFF  }
0x98: {  	s19 =	sld [smem:$0x3FDB];
	_ =	sdelay $0x1  }
0x99: {  	s4 =	simm.s32 $_scs_section_size  }
0x9a: {  	s5 =	simm.s32 $_size__tile_overlayer_lowered;
	s6 =	simm.s32 $_tile_overlayer_lowered  }
0x9b: {  	s22 =	simm.s32 $0x1BFF;
	s21 =	sshll.u32 s6, $0x1;
	s3 =	sadd.s32 s4, s19  }
0x9c: {  	s7 =	simm.s32 $0x0;
	s20 =	sshll.u32 s5, $0x1;
	s5 =	sadd.s32 s21, s3  }
0x9d: {  	[timem:s7], [sflag:s22] =	dma.local [hbm:s5], s20  }
0x9e: {  	_ =	swait.ge [sflag:s22], s20  }
0x9f: {  	s4 =	ssub.s32 $0x0, s20;
	[sflag:s22] =	ssyncset.done $0x0  }
0xa0: {  	[sflag:s22] =	ssyncadd.s32 s4;
	_ =	sdelay $0x1  }
0xa1: {  	s23 =	simm.s32 $0x1B8B  }
0xa2: {  	_ =	swait.ge [sflag:s23], $0x1  }
0xa3: {  	[sflag:s23] =	ssyncset.done $0x0  }
0xa4: {  	s25 =	simm.s32 $0x1B8E;
	s24 =	sld [smem:$0x3FFE];
	[sflag:s23] =	ssyncadd.s32 $0xFFFFFFFF  }
0xa5: {  	s26 =	simm.s32 $execute0_lowered;
	[smem:$0x3FD2] =	sst s25  }
0xa6: {  	s5 =	sshll.u32 s26, $0x1;
	_ =	strace $0x80000046;
	[dreg:$0x1] =	wrdreg $0xFFFFFFFF  }
0xa7: {  	s28 =	simm.s32 $_size_execute0_lowered;
	s3 =	sadd.s32 s3, s5;
	[dreg:$0x0] =	wrdreg $0x0  }
0xa8: {  	s5 =	sshll.u32 s28, $0x1;
	[dreg:$0x2] =	wrdreg s3  }
0xa9: {  	[dreg:$0x3] =	wrdreg s5  }
0xaa: {  	[dreg:$0x4] =	wrdreg $0xC0  }
0xab: {  	_ =	task [dreg:s7], $0x5FFFF  }
0xac: {  	[dreg:$0x1] =	wrdreg $0xFFFFFFFF  }
0xad: {  	[dreg:$0x0] =	wrdreg $0x60  }
0xae: {  	[dreg:$0x2] =	wrdreg s24  }
0xaf: {  	[dreg:$0x3] =	wrdreg s2  }
0xb0: {  	[dreg:$0x4] =	wrdreg $0x9  }
0xb1: {  	_ =	task.clear_ibuf [dreg:s7], $0x5FFFF;
	_ =	strace $0x90000046  }
0xb2: {  	s29 =	simm.s32 $0x9;
	_ =	strace $0x80000048  }
0xb3: {  	_ =	swait.ge [sflag:s29], $0x1  }
0xb4: {  	[sflag:s29] =	ssyncadd.s32 $0xFFFFFFFF  }
0xb5: {  	_ =	strace $0x90000048  }
0xb6: {  	_ =	sfence  }
0xb7: {  	s30 =	sld [smem:$0x0];
	_ =	sdelay $0x2  }
0xb8: {  	s31 =	sshll.u32 s1, $0xD;
	s1 =	sshrl.u32 s1, $0x2  }
0xb9: {  	s3 =	sand.u32 $0x4000, s31;
	s1 =	sadd.s32 s1, s30  }
0xba: {  	s0 =	sor.u32 s3, s0;
	s1 =	sshll.u32 s1, $0x11  }
0xbb: {  	s0 =	sor.u32 s1, s0  }
0xbc: {  	s0 =	sadd.s32 $0x8F2B, s0  }
0xbd: {  	[sflag:s0] =	ssyncadd.remote.s32 $0x1  }
0xbe: {  	_ =	sfence.sel $0xFFFF  }
0xbf: {  	[dreg:$0x0] =	wrdreg $0xFFFFFFFF;
	(pc) =	sbr.abs _section_cstart, $3  }
0xc0: {  	[dreg:$0x1] =	wrdreg $0xFFFFFFFF  }
0xc1: {  	_ =	task.clear_ibuf [dreg:s7], $0x2FFFF;
	_ =	strace $0x9FFFFFFF  }
0xc2: {  	(tm) =	ssettm $0x7FFFFFFF  }
0xc3: {  	_ =	shalt  }
tec
execute0_lowered:
.L_overlay_start_1:
0x0: {  	(tag) =	ssettag $0x1  }
0x1: {  	s0 =	rddreg [dreg:$0x0]  }
0x2: {  	s1 =	srdreg.scid;
	s3 =	stileid.u32  }
0x3: {  	s2 =	rddreg [dreg:$0x1];
	s9 =	simm.s32 $0x80;
	s12 =	simm.s32 $0x6480  }
0x4: {  	s13 =	simm.s32 $0x8600;
	s14 =	simm.s32 $0x1;
	s15 =	simm.s32 $0xE600  }
0x5: {  	s16 =	simm.s32 $0x6500;
	s17 =	simm.s32 $0xA600;
	s18 =	simm.s32 $0x2  }
0x6: {  	s19 =	simm.s32 $0x10800;
	s20 =	simm.s32 $0x6580;
	s21 =	simm.s32 $0xC600  }
0x7: {  	s22 =	simm.s32 $0x3;
	s1 =	sand.u32 $0x1, s1;
	s4 =	sshll.u32 s3, $0x1  }
0x8: {  	v5 =	vlaneseq.u32;
	s23 =	simm.s32 $0x12A00;
	s24 =	simm.s32 $0x5;
	s5 =	sor.u32 s1, s4  }
0x9: {  	s25 =	simm.s32 $0x4;
	s26 =	simm.s32 $0x14C00;
	v0 =	vmul.u32 $0xC8, v5;
	s4 =	smul.u32 $0xC80, s5  }
0xa: {  	s30 =	simm.s32 $0x6;
	s3 =	simm.s32 $0x0;
	s1 =	ssub.s32 $0x2, s1  }
0xb: {  	v5 =	vmul.u32 $0x88, v5;
	[smem:$0x7FF] =	sst s3;
	s28 =	sshrl.u32 s1, $0x1;
	v1 =	vadd.s32 $0xC80, v0;
	s6 =	sadd.s32 s4, s0  }
0xc: {  	v2 =	vadd.s32 $0x1900, v0;
	v3 =	vadd.s32 $0x2580, v0;
	v4 =	vadd.s32 $0x3200, v0;
	s4 =	sadd.s32 $0xF42A00, s0;
	s0 =	ssub.s32 s1, s28;
	s29 =	sadd.s32 $0x600, s6  }
0xd: {  	_ =	strace $0x80000047;
	v6 =	vadd.s32 $0x3E80, v0;
	v7 =	vadd.s32 $0x4B00, v0;
	v8 =	vadd.s32 $0x5780, v0;
	s0 =	smax.u32 s0, $0x1;
	[dreg:$0x3] =	wrdreg s29  }
0xe: {  	s31 =	simm.s32 $0x0;
	v9 =	vadd.s32 $0x880, v5;
	v10 =	vadd.s32 $0x1100, v5;
	v11 =	vadd.s32 $0x1980, v5;
	s6 =	sshll.u32 s5, $0xA;
	[dreg:$0x4] =	wrdreg s0  }
.LBB2_1:
0xf: {  	s0 =	rddreg [dreg:$0x3];
	s28 =	simm.s32 $0x9  }
0x10: {  	[tilespmem:s3], [sflag:$0x9] =	stream.linear.gather [hbm4b:s0+s3], $0x6400, $0x38;
	[tilespmem:$0x16E00] =	vst v63  }
0x11: {  	_ =	swait.ge [sflag:s28], $0x6400  }
0x12: {  	[sflag:s28] =	ssyncset.done $0x0  }
0x13: {  	[sflag:s28] =	ssyncadd.s32 $0xFFFF9C00  }
0x14: {  	v12 =	vld.idx.msk [tilespmem:v0+s3+$0x0], $0xffff;
	_ =	sdelay $0x4  }
0x15: {  	[tilespmem:$0x6400] =	vst v12  }
0x16: {  	v12 =	vld.idx.msk [tilespmem:v1+s3+$0x0], $0xffff;
	_ =	sdelay $0x4  }
0x17: {  	[tilespmem:$0x6410] =	vst v12  }
0x18: {  	v12 =	vld.idx.msk [tilespmem:v2+s3+$0x0], $0xffff;
	_ =	sdelay $0x4  }
0x19: {  	[tilespmem:$0x6420] =	vst v12  }
0x1a: {  	v12 =	vld.idx.msk [tilespmem:v3+s3+$0x0], $0xffff;
	_ =	sdelay $0x4  }
0x1b: {  	[tilespmem:$0x6430] =	vst v12  }
0x1c: {  	v12 =	vld.idx.msk [tilespmem:v4+s3+$0x0], $0xffff;
	_ =	sdelay $0x4  }
0x1d: {  	[tilespmem:$0x6440] =	vst v12  }
0x1e: {  	v12 =	vld.idx.msk [tilespmem:v6+s3+$0x0], $0xffff;
	_ =	sdelay $0x4  }
0x1f: {  	[tilespmem:$0x6450] =	vst v12  }
0x20: {  	v12 =	vld.idx.msk [tilespmem:v7+s3+$0x0], $0xffff;
	_ =	sdelay $0x4  }
0x21: {  	[tilespmem:$0x6460] =	vst v12  }
0x22: {  	v12 =	vld.idx.msk [tilespmem:v8+s3+$0x0], $0xffff;
	_ =	sdelay $0x4  }
0x23: {  	s29 =	simm.s32 $0x6400;
	s1 =	simm.s32 $0x6600;
	[tilespmem:$0x6470] =	vst v12  }
0x24: {  	[tilespmem:s1], [sflag:$0x1] =	stream.indirect.gather [hbm4b:s4+s9], $0x40, s29, s9, $0xb8;
	[tilespmem:$0x16E00] =	vst v63  }
0x25: {  	s1 =	simm.s32 $0x0  }
.LBB2_2:
0x26: {  	s0 =	sshll.u32 s1, $0x2  }
0x27: {  	s10 =	sor.u32 $0x1, s0  }
0x28: {  	v12 =	vmov s10  }
0x29: {  	v12 =	vand.u32 $0xFD, v12  }
0x2a: {  	p0 =	seq.s32 s1, $0x0;
	v13 =	vadd.s32 v0, v12  }
0x2b: {  	s5 =	simm.s32 @!p0 $0x6  }
0x2c: {  	_ =	swait.ge @!p0 [sflag:s5], $0x2000  }
0x2d: {  	[sflag:s5] =	ssyncset.done @!p0 $0x0  }
0x2e: {  	s29 =	simm.s32 $0x0;
	[sflag:s5] =	ssyncadd.s32 @!p0 $0xFFFFE000  }
0x2f: {  	v13 =	vld.idx.msk [tilespmem:v13+s29+$0x0], $0xffff  }
0x30: {  	v14 =	vadd.s32 v1, v12;
	_ =	sdelay $0x3  }
0x31: {  	[tilespmem:$0x6480] =	vst v13  }
0x32: {  	v13 =	vld.idx.msk [tilespmem:v14+s29+$0x0], $0xffff  }
0x33: {  	v14 =	vadd.s32 v2, v12;
	_ =	sdelay $0x3  }
0x34: {  	[tilespmem:$0x6490] =	vst v13  }
0x35: {  	v13 =	vld.idx.msk [tilespmem:v14+s29+$0x0], $0xffff  }
0x36: {  	v14 =	vadd.s32 v3, v12;
	_ =	sdelay $0x3  }
0x37: {  	[tilespmem:$0x64A0] =	vst v13  }
0x38: {  	v13 =	vld.idx.msk [tilespmem:v14+s29+$0x0], $0xffff  }
0x39: {  	v14 =	vadd.s32 v4, v12;
	_ =	sdelay $0x3  }
0x3a: {  	[tilespmem:$0x64B0] =	vst v13  }
0x3b: {  	v13 =	vld.idx.msk [tilespmem:v14+s29+$0x0], $0xffff  }
0x3c: {  	v14 =	vadd.s32 v6, v12;
	_ =	sdelay $0x3  }
0x3d: {  	[tilespmem:$0x64C0] =	vst v13  }
0x3e: {  	v13 =	vld.idx.msk [tilespmem:v14+s29+$0x0], $0xffff  }
0x3f: {  	v14 =	vadd.s32 v7, v12;
	_ =	sdelay $0x3  }
0x40: {  	[tilespmem:$0x64D0] =	vst v13  }
0x41: {  	v13 =	vld.idx.msk [tilespmem:v14+s29+$0x0], $0xffff  }
0x42: {  	v12 =	vadd.s32 v8, v12;
	_ =	sdelay $0x3  }
0x43: {  	[tilespmem:$0x64E0] =	vst v13  }
0x44: {  	v12 =	vld.idx.msk [tilespmem:v12+s29+$0x0], $0xffff;
	_ =	sdelay $0x4  }
0x45: {  	[tilespmem:$0x64F0] =	vst v12  }
0x46: {  	[tilespmem:s13], [sflag:$0x2] =	stream.indirect.gather [hbm4b:s4+s9], $0x40, s12, s9, $0xb8;
	[tilespmem:$0x16E00] =	vst v63  }
0x47: {  	_ =	swait.ge [sflag:s14], $0x2000  }
0x48: {  	[sflag:s14] =	ssyncset.done $0x0  }
0x49: {  	s8 =	simm.s32 $0x6680;
	s7 =	simm.s32 $0x3;
	[sflag:s14] =	ssyncadd.s32 $0xFFFFE000  }
0x4a: {  	v12 =	vmov s7;
	v13 =	vld [tilespmem:s8+$0x40]  }
0x4b: {  	v17 =	vand.u32 $0x7F, v12  }
0x4c: {  	v12 =	vadd.s32 v5, v17  }
0x4d: {  	s11 =	simm.s32 $0x2;
	v14 =	vmov s29;
	s7 =	simm.s32 $0x1;
	v15 =	vld [tilespmem:s8+$0xFFFFFF80]  }
0x4e: {  	v19 =	vmov s11;
	v16 =	vand.u32 $0x7C, v14;
	v14 =	vmov s7;
	v18 =	vld [tilespmem:s8+$0xFFFFFFC0]  }
0x4f: {  	v20 =	vadd.s32 v5, v16;
	v23 =	vand.u32 $0x7D, v14;
	v14 =	vld [tilespmem:s8+$0x0];
	v13 =	vmul.f32 $8.000000000e+00, v13  }
0x50: {  	v25 =	vand.u32 $0x7E, v19;
	v21 =	vadd.s32 v5, v23  }
0x51: {  	v19 =	vadd.s32 v5, v25;
	[tilespmem:v12+s15+$0x0] =	vst.idx.msk $0xffff, v13  }
0x52: {  	v12 =	vmul.f32 $8.000000000e+00, v15;
	v13 =	vld [tilespmem:s8+$0x50]  }
0x53: {  	v15 =	vmul.f32 $8.000000000e+00, v18  }
0x54: {  	[tilespmem:v20+s15+$0x0] =	vst.idx.msk $0xffff, v12;
	v12 =	vmul.f32 $8.000000000e+00, v14;
	v14 =	vadd.s32 v9, v17  }
0x55: {  	[tilespmem:v21+s15+$0x0] =	vst.idx.msk $0xffff, v15;
	v18 =	vld [tilespmem:s8+$0xFFFFFF90]  }
0x56: {  	v15 =	vld [tilespmem:s8+$0xFFFFFFD0];
	[tilespmem:v19+s15+$0x0] =	vst.idx.msk $0xffff, v12  }
0x57: {  	v19 =	vld [tilespmem:s8+$0x10];
	v12 =	vmul.f32 $8.000000000e+00, v13  }
0x58: {  	s28 =	simm.s32 $0x4;
	s11 =	simm.s32 $0x6780;
	s29 =	simm.s32 $0x7;
	v20 =	vadd.s32 v9, v23  }
0x59: {  	v22 =	vld [tilespmem:s11+$0x40];
	v21 =	vadd.s32 v9, v25;
	v13 =	vmov s28;
	[tilespmem:v14+s15+$0x0] =	vst.idx.msk $0xffff, v12;
	v14 =	vmov s29  }
0x5a: {  	v24 =	vadd.s32 v9, v16;
	v12 =	vand.u32 $0x7C, v13;
	v13 =	vand.u32 $0x7F, v14;
	v26 =	vld [tilespmem:s8+$0x60]  }
0x5b: {  	v30 =	vadd.s32 v10, v17;
	v27 =	vld [tilespmem:s11+$0xFFFFFF80];
	s28 =	simm.s32 $0x5;
	v14 =	vmul.f32 $8.000000000e+00, v15;
	v28 =	vadd.s32 v5, v13  }
0x5c: {  	v29 =	vld [tilespmem:s11+$0xFFFFFFC0];
	v18 =	vmul.f32 $8.000000000e+00, v18;
	s29 =	simm.s32 $0x6;
	v15 =	vmul.f32 $8.000000000e+00, v19;
	v19 =	vmov s28  }
0x5d: {  	v31 =	vadd.s32 v5, v12;
	[tilespmem:v20+s15+$0x0] =	vst.idx.msk $0xffff, v14;
	v20 =	vmov s29;
	v14 =	vand.u32 $0x7D, v19;
	v19 =	vld [tilespmem:s11+$0x0]  }
0x5e: {  	[tilespmem:v21+s15+$0x0] =	vst.idx.msk $0xffff, v15;
	v21 =	vadd.s32 v5, v14;
	v15 =	vand.u32 $0x7E, v20;
	v20 =	vmul.f32 $8.000000000e+00, v22;
	v22 =	vld [tilespmem:s8+$0xFFFFFFE0]  }
0x5f: {  	[tilespmem:v24+s15+$0x0] =	vst.idx.msk $0xffff, v18;
	v18 =	vadd.s32 v5, v15;
	v24 =	vld [tilespmem:s8+$0x20];
	v26 =	vmul.f32 $8.000000000e+00, v26  }
0x60: {  	v27 =	vmul.f32 $8.000000000e+00, v27;
	[tilespmem:v28+s15+$0x0] =	vst.idx.msk $0xffff, v20;
	v20 =	vld [tilespmem:s8+$0xFFFFFFA0];
	v28 =	vadd.s32 v10, v23  }
0x61: {  	v33 =	vadd.s32 v10, v25;
	v29 =	vmul.f32 $8.000000000e+00, v29;
	v32 =	vld [tilespmem:s11+$0x50];
	[tilespmem:v30+s15+$0x0] =	vst.idx.msk $0xffff, v26  }
0x62: {  	[tilespmem:v31+s15+$0x0] =	vst.idx.msk $0xffff, v27;
	v27 =	vadd.s32 v10, v16;
	v19 =	vmul.f32 $8.000000000e+00, v19;
	v30 =	vld [tilespmem:s8+$0x70]  }
0x63: {  	v31 =	vld [tilespmem:s11+$0xFFFFFF90];
	[tilespmem:v21+s15+$0x0] =	vst.idx.msk $0xffff, v29;
	v29 =	vadd.s32 v9, v13;
	v22 =	vmul.f32 $8.000000000e+00, v22  }
0x64: {  	v35 =	vadd.s32 v11, v17;
	v34 =	vld [tilespmem:s11+$0xFFFFFFD0];
	[tilespmem:v18+s15+$0x0] =	vst.idx.msk $0xffff, v19;
	v18 =	vmul.f32 $8.000000000e+00, v24  }
0x65: {  	v26 =	vadd.s32 v9, v12;
	v21 =	vld [tilespmem:s11+$0x10];
	v17 =	vmul.f32 $8.000000000e+00, v20;
	[tilespmem:v28+s15+$0x0] =	vst.idx.msk $0xffff, v22  }
0x66: {  	s7 =	simm.s32 $0x8;
	v24 =	vadd.s32 v9, v14;
	[tilespmem:v33+s15+$0x0] =	vst.idx.msk $0xffff, v18;
	v22 =	vmul.f32 $8.000000000e+00, v32;
	v20 =	vld [tilespmem:s8+$0xFFFFFFF0]  }
0x67: {  	v28 =	vmov s7;
	v18 =	vadd.s32 v9, v15;
	v19 =	vld [tilespmem:s8+$0x30];
	[tilespmem:v27+s15+$0x0] =	vst.idx.msk $0xffff, v17;
	v63 =	vmul.f32 $8.000000000e+00, v30  }
0x68: {  	s5 =	simm.s32 $0x6880;
	s28 =	simm.s32 $0xB;
	v23 =	vadd.s32 v11, v23;
	v17 =	vand.u32 $0x7C, v28;
	v28 =	vmul.f32 $8.000000000e+00, v31;
	[tilespmem:v29+s15+$0x0] =	vst.idx.msk $0xffff, v22;
	v22 =	vld [tilespmem:s8+$0xFFFFFFB0]  }
0x69: {  	v25 =	vadd.s32 v11, v25;
	v30 =	vmov s28;
	v27 =	vld [tilespmem:s5+$0x40];
	s8 =	simm.s32 $0xC;
	v29 =	vmul.f32 $8.000000000e+00, v34;
	[tilespmem:v35+s15+$0x0] =	vst.idx.msk $0xffff, v63  }
.LBB2_3:
0x6a: {  	p1 =	slt.u32 s8, $0x7C;
	s28 =	sadd.s32 $0x1, s7;
	v30 =	vand.u32 $0x7F, v30;
	[tilespmem:v26+s15+$0x0] =	vst.idx.msk $0xffff, v28;
	v21 =	vmul.f32 $8.000000000e+00, v21;
	v26 =	vld [tilespmem:s11+$0x60];
	v28 =	vadd.s32 v11, v16;
	v16 =	vmovc v12  }
0x6b: {  	v12 =	vmovc v17;
	v31 =	vld [tilespmem:s5+$0xFFFFFF80];
	v32 =	vmov s28;
	s28 =	sadd.s32 $0x2, s7;
	v33 =	vadd.s32 v5, v30;
	[tilespmem:v24+s15+$0x0] =	vst.idx.msk $0xffff, v29;
	v20 =	vmul.f32 $8.000000000e+00, v20;
	s7 =	smov.u32 s8  }
0x6c: {  	v17 =	vld [tilespmem:s5+$0xFFFFFFC0];
	v24 =	vmov s28;
	[tilespmem:v18+s15+$0x0] =	vst.idx.msk $0xffff, v21;
	v18 =	vadd.s32 v10, v13;
	v19 =	vmul.f32 $8.000000000e+00, v19  }
0x6d: {  	v21 =	vadd.s32 v5, v12;
	v29 =	vand.u32 $0x7D, v32;
	v32 =	vld [tilespmem:s5+$0x0];
	v22 =	vmul.f32 $8.000000000e+00, v22;
	[tilespmem:v23+s15+$0x0] =	vst.idx.msk $0xffff, v20  }
0x6e: {  	v20 =	vadd.s32 v5, v29;
	v34 =	vand.u32 $0x7E, v24;
	v23 =	vmul.f32 $8.000000000e+00, v27;
	v24 =	vld [tilespmem:s11+$0xFFFFFFE0];
	[tilespmem:v25+s15+$0x0] =	vst.idx.msk $0xffff, v19  }
0x6f: {  	v19 =	vadd.s32 v5, v34;
	v25 =	vld [tilespmem:s11+$0x20];
	v26 =	vmul.f32 $8.000000000e+00, v26;
	[tilespmem:v28+s15+$0x0] =	vst.idx.msk $0xffff, v22  }
0x70: {  	v27 =	vadd.s32 v10, v14;
	v22 =	vmul.f32 $8.000000000e+00, v31;
	[tilespmem:v33+s15+$0x0] =	vst.idx.msk $0xffff, v23;
	v23 =	vld [tilespmem:s11+$0xFFFFFFA0]  }
0x71: {  	v31 =	vadd.s32 v10, v15;
	v17 =	vmul.f32 $8.000000000e+00, v17;
	v28 =	vld [tilespmem:s5+$0x50];
	[tilespmem:v18+s15+$0x0] =	vst.idx.msk $0xffff, v26  }
0x72: {  	[tilespmem:v21+s15+$0x0] =	vst.idx.msk $0xffff, v22;
	v18 =	vmul.f32 $8.000000000e+00, v32;
	v22 =	vadd.s32 v10, v16;
	v32 =	vld [tilespmem:s11+$0x70]  }
0x73: {  	v35 =	vadd.s32 v9, v30;
	v33 =	vld [tilespmem:s5+$0xFFFFFF90];
	[tilespmem:v20+s15+$0x0] =	vst.idx.msk $0xffff, v17;
	v17 =	vmul.f32 $8.000000000e+00, v24  }
0x74: {  	v37 =	vadd.s32 v11, v13;
	v13 =	vmov v30;
	v36 =	vld [tilespmem:s5+$0xFFFFFFD0];
	[tilespmem:v19+s15+$0x0] =	vst.idx.msk $0xffff, v18;
	v18 =	vmul.f32 $8.000000000e+00, v25  }
.Ltmp0:
0x75: {  	v26 =	vadd.s32 v9, v12;
	v21 =	vld [tilespmem:s5+$0x10];
	v19 =	vmul.f32 $8.000000000e+00, v23;
	[tilespmem:v27+s15+$0x0] =	vst.idx.msk $0xffff, v17;
	(pc) =	sbr.rel @p1 .LBB2_3-.Ltmp0, $4  }
0x76: {  	v24 =	vadd.s32 v9, v29;
	v23 =	vmul.f32 $8.000000000e+00, v28;
	v20 =	vld [tilespmem:s11+$0xFFFFFFF0];
	[tilespmem:v31+s15+$0x0] =	vst.idx.msk $0xffff, v18  }
0x77: {  	v17 =	vmov s8;
	v18 =	vadd.s32 v9, v34;
	[tilespmem:v22+s15+$0x0] =	vst.idx.msk $0xffff, v19;
	v19 =	vld [tilespmem:s11+$0x30];
	v31 =	vmul.f32 $8.000000000e+00, v32  }
0x78: {  	s28 =	sadd.s32 $0x3, s8;
	v17 =	vand.u32 $0x7C, v17;
	v28 =	vmul.f32 $8.000000000e+00, v33;
	[tilespmem:v35+s15+$0x0] =	vst.idx.msk $0xffff, v23;
	v22 =	vld [tilespmem:s11+$0xFFFFFFB0];
	v23 =	vadd.s32 v11, v14;
	v14 =	vmovc v29;
	s11 =	smov.u32 s5;
	s5 =	sadd.s32 $0x100, s5  }
0x79: {  	v30 =	vmov s28;
	v25 =	vadd.s32 v11, v15;
	v15 =	vmovc v34;
	s8 =	sadd.s32 $0x4, s8;
	v27 =	vld [tilespmem:s5+$0x40];
	v29 =	vmul.f32 $8.000000000e+00, v36;
	[tilespmem:v37+s15+$0x0] =	vst.idx.msk $0xffff, v31  }
0x7a: {  	s8 =	sadd.s32 $0x1, s7;
	v30 =	vand.u32 $0x7F, v30;
	v36 =	vld [tilespmem:s5+$0xFFFFFF80]  }
0x7b: {  	s29 =	sadd.s32 $0x2, s7;
	v32 =	vld [tilespmem:s5+$0xFFFFFFC0];
	v31 =	vmov s8;
	v33 =	vadd.s32 v5, v30  }
0x7c: {  	v35 =	vld [tilespmem:s5+$0x0];
	v39 =	vadd.s32 v5, v17;
	v34 =	vmov s29;
	v31 =	vand.u32 $0x7D, v31  }
0x7d: {  	v34 =	vand.u32 $0x7E, v34;
	v37 =	vadd.s32 v5, v31  }
0x7e: {  	[tilespmem:v26+s15+$0x0] =	vst.idx.msk $0xffff, v28;
	v38 =	vadd.s32 v5, v34;
	v27 =	vmul.f32 $8.000000000e+00, v27  }
0x7f: {  	[tilespmem:v24+s15+$0x0] =	vst.idx.msk $0xffff, v29;
	v42 =	vmul.f32 $8.000000000e+00, v36  }
0x80: {  	v40 =	vmul.f32 $8.000000000e+00, v32;
	[tilespmem:v33+s15+$0x0] =	vst.idx.msk $0xffff, v27  }
0x81: {  	v41 =	vmul.f32 $8.000000000e+00, v35;
	v43 =	vld [tilespmem:s5+$0x50];
	[tilespmem:v39+s15+$0x0] =	vst.idx.msk $0xffff, v42  }
0x82: {  	v21 =	vmul.f32 $8.000000000e+00, v21;
	v16 =	vadd.s32 v11, v16;
	[tilespmem:v37+s15+$0x0] =	vst.idx.msk $0xffff, v40;
	v47 =	vld [tilespmem:s5+$0xFFFFFF90]  }
0x83: {  	v20 =	vmul.f32 $8.000000000e+00, v20;
	v45 =	vadd.s32 v9, v30;
	[tilespmem:v38+s15+$0x0] =	vst.idx.msk $0xffff, v41;
	v44 =	vld [tilespmem:s5+$0xFFFFFFD0]  }
0x84: {  	v52 =	vadd.s32 v9, v17;
	[tilespmem:v18+s15+$0x0] =	vst.idx.msk $0xffff, v21;
	v46 =	vmul.f32 $8.000000000e+00, v19;
	v27 =	vld [tilespmem:s5+$0x10]  }
0x85: {  	v49 =	vld [tilespmem:s11+$0x60];
	v48 =	vadd.s32 v9, v31;
	v22 =	vmul.f32 $8.000000000e+00, v22;
	[tilespmem:v23+s15+$0x0] =	vst.idx.msk $0xffff, v20  }
0x86: {  	v51 =	vld [tilespmem:s11+$0xFFFFFFE0];
	v50 =	vadd.s32 v9, v34;
	[tilespmem:v25+s15+$0x0] =	vst.idx.msk $0xffff, v46;
	v24 =	vmul.f32 $8.000000000e+00, v43  }
0x87: {  	v53 =	vadd.s32 v10, v13;
	v54 =	vld [tilespmem:s11+$0x20];
	[tilespmem:v16+s15+$0x0] =	vst.idx.msk $0xffff, v22;
	v19 =	vmul.f32 $8.000000000e+00, v47  }
0x88: {  	v57 =	vadd.s32 v10, v14;
	v56 =	vld [tilespmem:s11+$0xFFFFFFA0];
	v55 =	vmul.f32 $8.000000000e+00, v44;
	[tilespmem:v45+s15+$0x0] =	vst.idx.msk $0xffff, v24  }
0x89: {  	v59 =	vadd.s32 v10, v15;
	v58 =	vmul.f32 $8.000000000e+00, v27;
	v60 =	vld [tilespmem:s5+$0x60];
	[tilespmem:v52+s15+$0x0] =	vst.idx.msk $0xffff, v19  }
0x8a: {  	v62 =	vadd.s32 v10, v12;
	v61 =	vmul.f32 $8.000000000e+00, v49;
	[tilespmem:v48+s15+$0x0] =	vst.idx.msk $0xffff, v55;
	v37 =	vld [tilespmem:s5+$0xFFFFFFA0]  }
0x8b: {  	v33 =	vadd.s32 v10, v30;
	v23 =	vmul.f32 $8.000000000e+00, v51;
	[tilespmem:v50+s15+$0x0] =	vst.idx.msk $0xffff, v58;
	v63 =	vld [tilespmem:s5+$0xFFFFFFE0]  }
0x8c: {  	[tilespmem:v53+s15+$0x0] =	vst.idx.msk $0xffff, v61;
	v42 =	vadd.s32 v10, v17;
	v36 =	vmul.f32 $8.000000000e+00, v54;
	v35 =	vld [tilespmem:s5+$0x20]  }
0x8d: {  	v22 =	vmul.f32 $8.000000000e+00, v56;
	v38 =	vadd.s32 v10, v31;
	v39 =	vld [tilespmem:s11+$0x70];
	[tilespmem:v57+s15+$0x0] =	vst.idx.msk $0xffff, v23  }
0x8e: {  	v40 =	vadd.s32 v10, v34;
	v29 =	vld [tilespmem:s11+$0xFFFFFFF0];
	[tilespmem:v59+s15+$0x0] =	vst.idx.msk $0xffff, v36;
	v41 =	vmul.f32 $8.000000000e+00, v60  }
0x8f: {  	[tilespmem:v62+s15+$0x0] =	vst.idx.msk $0xffff, v22;
	v43 =	vadd.s32 v11, v13;
	v44 =	vld [tilespmem:s11+$0x30];
	v48 =	vmul.f32 $8.000000000e+00, v37  }
0x90: {  	v22 =	vld [tilespmem:s11+$0xFFFFFFB0];
	v45 =	vadd.s32 v11, v14;
	v20 =	vmul.f32 $8.000000000e+00, v63;
	[tilespmem:v33+s15+$0x0] =	vst.idx.msk $0xffff, v41  }
0x91: {  	v47 =	vadd.s32 v11, v15;
	v46 =	vmul.f32 $8.000000000e+00, v35;
	v18 =	vld [tilespmem:s5+$0x70];
	[tilespmem:v42+s15+$0x0] =	vst.idx.msk $0xffff, v48  }
0x92: {  	v49 =	vmul.f32 $8.000000000e+00, v39;
	v50 =	vadd.s32 v11, v12;
	[tilespmem:v38+s15+$0x0] =	vst.idx.msk $0xffff, v20;
	v56 =	vld [tilespmem:s5+$0xFFFFFFB0]  }
0x93: {  	v53 =	vadd.s32 v11, v30;
	v52 =	vmul.f32 $8.000000000e+00, v29;
	[tilespmem:v40+s15+$0x0] =	vst.idx.msk $0xffff, v46;
	v51 =	vld [tilespmem:s5+$0xFFFFFFF0]  }
0x94: {  	[tilespmem:v43+s15+$0x0] =	vst.idx.msk $0xffff, v49;
	v55 =	vmul.f32 $8.000000000e+00, v44;
	v60 =	vadd.s32 v11, v17;
	v54 =	vld [tilespmem:s5+$0x30]  }
0x95: {  	v57 =	vadd.s32 v11, v31;
	v22 =	vmul.f32 $8.000000000e+00, v22;
	[tilespmem:v45+s15+$0x0] =	vst.idx.msk $0xffff, v52  }
0x96: {  	v58 =	vadd.s32 v11, v34;
	[tilespmem:v47+s15+$0x0] =	vst.idx.msk $0xffff, v55;
	v59 =	vmul.f32 $8.000000000e+00, v18  }
0x97: {  	[tilespmem:v50+s15+$0x0] =	vst.idx.msk $0xffff, v22;
	v63 =	vmul.f32 $8.000000000e+00, v56  }
0x98: {  	s7 =	sshll.u32 s1, $0x14;
	v61 =	vmul.f32 $8.000000000e+00, v51;
	[tilespmem:v53+s15+$0x0] =	vst.idx.msk $0xffff, v59  }
0x99: {  	s5 =	sor.u32 s6, s7;
	v62 =	vmul.f32 $8.000000000e+00, v54;
	[tilespmem:v60+s15+$0x0] =	vst.idx.msk $0xffff, v63  }
0x9a: {  	s5 =	sshrl.u32 s5, $0x3;
	[tilespmem:v57+s15+$0x0] =	vst.idx.msk $0xffff, v61  }
0x9b: {  	s8 =	simm.s32 $0xE600;
	s7 =	sadd.s32 s2, s5;
	[tilespmem:v58+s15+$0x0] =	vst.idx.msk $0xffff, v62  }
0x9c: {  	[hbm4b:s7+s3] =	stream.linear.scatter [tilespmem:s8], [sflag:$0x5], $0x80, $0x38;
	[tilespmem:$0x16E00] =	vst v63  }
0x9d: {  	s11 =	simm.s32 $0xE688;
	s29 =	sadd.s32 $0x10, s7  }
0x9e: {  	[hbm4b:s29+s3] =	stream.linear.scatter [tilespmem:s11], [sflag:$0x5], $0x80, $0x38;
	[tilespmem:$0x16E00] =	vst v63  }
0x9f: {  	s11 =	simm.s32 $0xE710;
	s29 =	sadd.s32 $0x20, s7  }
0xa0: {  	[hbm4b:s29+s3] =	stream.linear.scatter [tilespmem:s11], [sflag:$0x5], $0x80, $0x38;
	[tilespmem:$0x16E00] =	vst v63  }
0xa1: {  	s11 =	simm.s32 $0xE798;
	s29 =	sadd.s32 $0x30, s7  }
0xa2: {  	[hbm4b:s29+s3] =	stream.linear.scatter [tilespmem:s11], [sflag:$0x5], $0x80, $0x38;
	[tilespmem:$0x16E00] =	vst v63  }
0xa3: {  	s11 =	simm.s32 $0xE820;
	s29 =	sadd.s32 $0x40, s7  }
0xa4: {  	[hbm4b:s29+s3] =	stream.linear.scatter [tilespmem:s11], [sflag:$0x5], $0x80, $0x38;
	[tilespmem:$0x16E00] =	vst v63  }
0xa5: {  	s5 =	simm.s32 $0x440;
	s11 =	simm.s32 $0xE8A8;
	s29 =	sadd.s32 $0x50, s7  }
0xa6: {  	[hbm4b:s29+s3] =	stream.linear.scatter [tilespmem:s11], [sflag:$0x5], $0x80, $0x38;
	[tilespmem:$0x16E00] =	vst v63  }
0xa7: {  	s28 =	sadd.s32 $0x70, s7;
	s11 =	simm.s32 $0xE930;
	s29 =	sadd.s32 $0x60, s7  }
0xa8: {  	[hbm4b:s29+s3] =	stream.linear.scatter [tilespmem:s11], [sflag:$0x5], $0x80, $0x38;
	[tilespmem:$0x16E00] =	vst v63  }
0xa9: {  	s8 =	simm.s32 $0x2200;
	s7 =	sadd.s32 $0x1000, s7;
	s11 =	simm.s32 $0xE9B8  }
.LBB2_5:
0xaa: {  	[hbm4b:s28+s3] =	stream.linear.scatter [tilespmem:s11], [sflag:$0x5], $0x80, $0x38;
	[tilespmem:$0x16E00] =	vst v63  }
0xab: {  	s11 =	smov.u32 s5;
	s5 =	smov.u32 s8  }
0xac: {  	s29 =	sadd.s32 $0x1100, s8;
	s5 =	sshra.s32 s5, $0x2;
	s28 =	sadd.s32 $0xE600, s11  }
0xad: {  	[hbm4b:s7+s3] =	stream.linear.scatter [tilespmem:s28], [sflag:$0x5], $0x80, $0x38;
	[tilespmem:$0x16E00] =	vst v63  }
0xae: {  	p1 =	sne.s32 s8, $0x7700;
	s8 =	sadd.s32 $0xE688, s11;
	s28 =	sadd.s32 $0x10, s7  }
0xaf: {  	[hbm4b:s28+s3] =	stream.linear.scatter [tilespmem:s8], [sflag:$0x5], $0x80, $0x38;
	[tilespmem:$0x16E00] =	vst v63  }
0xb0: {  	s8 =	sadd.s32 $0xE710, s11;
	s28 =	sadd.s32 $0x20, s7  }
0xb1: {  	[hbm4b:s28+s3] =	stream.linear.scatter [tilespmem:s8], [sflag:$0x5], $0x80, $0x38;
	[tilespmem:$0x16E00] =	vst v63  }
0xb2: {  	s8 =	sadd.s32 $0xE798, s11;
	s28 =	sadd.s32 $0x30, s7  }
0xb3: {  	[hbm4b:s28+s3] =	stream.linear.scatter [tilespmem:s8], [sflag:$0x5], $0x80, $0x38;
	[tilespmem:$0x16E00] =	vst v63  }
0xb4: {  	s8 =	sadd.s32 $0xE820, s11;
	s28 =	sadd.s32 $0x40, s7  }
0xb5: {  	[hbm4b:s28+s3] =	stream.linear.scatter [tilespmem:s8], [sflag:$0x5], $0x80, $0x38;
	[tilespmem:$0x16E00] =	vst v63  }
.Ltmp1:
0xb6: {  	s8 =	sadd.s32 $0xE8A8, s11;
	s28 =	sadd.s32 $0x50, s7;
	(pc) =	sbr.rel @p1 .LBB2_5-.Ltmp1, $4  }
0xb7: {  	[hbm4b:s28+s3] =	stream.linear.scatter [tilespmem:s8], [sflag:$0x5], $0x80, $0x38;
	[tilespmem:$0x16E00] =	vst v63  }
0xb8: {  	s8 =	sadd.s32 $0xE930, s11;
	s28 =	sadd.s32 $0x60, s7;
	s11 =	sadd.s32 $0xE9B8, s11  }
0xb9: {  	[hbm4b:s28+s3] =	stream.linear.scatter [tilespmem:s8], [sflag:$0x5], $0x80, $0x38;
	[tilespmem:$0x16E00] =	vst v63  }
0xba: {  	s28 =	sadd.s32 $0x70, s7;
	s7 =	sadd.s32 $0x1000, s7;
	s8 =	smov.u32 s29  }
0xbb: {  	[hbm4b:s28+s3] =	stream.linear.scatter [tilespmem:s11], [sflag:$0x5], $0x80, $0x38;
	[tilespmem:$0x16E00] =	vst v63  }
0xbc: {  	s8 =	sadd.s32 $0xE600, s5  }
0xbd: {  	[hbm4b:s7+s3] =	stream.linear.scatter [tilespmem:s8], [sflag:$0x5], $0x80, $0x38;
	[tilespmem:$0x16E00] =	vst v63  }
0xbe: {  	s11 =	sadd.s32 $0xE688, s5;
	s29 =	sadd.s32 $0x10, s7  }
0xbf: {  	[hbm4b:s29+s3] =	stream.linear.scatter [tilespmem:s11], [sflag:$0x5], $0x80, $0x38;
	[tilespmem:$0x16E00] =	vst v63  }
0xc0: {  	s11 =	sadd.s32 $0xE710, s5;
	s29 =	sadd.s32 $0x20, s7  }
0xc1: {  	[hbm4b:s29+s3] =	stream.linear.scatter [tilespmem:s11], [sflag:$0x5], $0x80, $0x38;
	[tilespmem:$0x16E00] =	vst v63  }
0xc2: {  	s11 =	sadd.s32 $0xE798, s5;
	s29 =	sadd.s32 $0x30, s7  }
0xc3: {  	[hbm4b:s29+s3] =	stream.linear.scatter [tilespmem:s11], [sflag:$0x5], $0x80, $0x38;
	[tilespmem:$0x16E00] =	vst v63  }
0xc4: {  	s11 =	sadd.s32 $0xE820, s5;
	s29 =	sadd.s32 $0x40, s7  }
0xc5: {  	[hbm4b:s29+s3] =	stream.linear.scatter [tilespmem:s11], [sflag:$0x5], $0x80, $0x38;
	[tilespmem:$0x16E00] =	vst v63  }
0xc6: {  	s11 =	sadd.s32 $0xE8A8, s5;
	s29 =	sadd.s32 $0x50, s7  }
0xc7: {  	[hbm4b:s29+s3] =	stream.linear.scatter [tilespmem:s11], [sflag:$0x5], $0x80, $0x38;
	[tilespmem:$0x16E00] =	vst v63  }
0xc8: {  	s11 =	sor.u32 $0x2, s0  }
0xc9: {  	s28 =	sadd.s32 $0x60, s7;
	s29 =	sadd.s32 $0xE930, s5;
	v12 =	vmov s11  }
0xca: {  	[hbm4b:s28+s3] =	stream.linear.scatter [tilespmem:s29], [sflag:$0x5], $0x80, $0x38;
	v12 =	vand.u32 $0xFE, v12;
	[tilespmem:$0x16E00] =	vst v63  }
0xcb: {  	s8 =	sadd.s32 $0xE9B8, s5;
	s5 =	simm.s32 @!p0 $0x7;
	s29 =	sadd.s32 $0x70, s7;
	v13 =	vadd.s32 v0, v12  }
0xcc: {  	[hbm4b:s29+s3] =	stream.linear.scatter [tilespmem:s8], [sflag:$0x5], $0x80, $0x38;
	[tilespmem:$0x16E00] =	vst v63  }
0xcd: {  	_ =	swait.ge @!p0 [sflag:s5], $0x2000  }
0xce: {  	[sflag:s5] =	ssyncset.done @!p0 $0x0  }
0xcf: {  	s8 =	simm.s32 $0x0;
	[sflag:s5] =	ssyncadd.s32 @!p0 $0xFFFFE000  }
0xd0: {  	v13 =	vld.idx.msk [tilespmem:v13+s8+$0x0], $0xffff  }
0xd1: {  	v14 =	vadd.s32 v1, v12;
	_ =	sdelay $0x3  }
0xd2: {  	[tilespmem:$0x6500] =	vst v13  }
0xd3: {  	v13 =	vld.idx.msk [tilespmem:v14+s8+$0x0], $0xffff  }
0xd4: {  	v14 =	vadd.s32 v2, v12;
	_ =	sdelay $0x3  }
0xd5: {  	[tilespmem:$0x6510] =	vst v13  }
0xd6: {  	v13 =	vld.idx.msk [tilespmem:v14+s8+$0x0], $0xffff  }
0xd7: {  	v14 =	vadd.s32 v3, v12;
	_ =	sdelay $0x3  }
0xd8: {  	[tilespmem:$0x6520] =	vst v13  }
0xd9: {  	v13 =	vld.idx.msk [tilespmem:v14+s8+$0x0], $0xffff  }
0xda: {  	v14 =	vadd.s32 v4, v12;
	_ =	sdelay $0x3  }
0xdb: {  	[tilespmem:$0x6530] =	vst v13  }
0xdc: {  	v13 =	vld.idx.msk [tilespmem:v14+s8+$0x0], $0xffff  }
0xdd: {  	v14 =	vadd.s32 v6, v12;
	_ =	sdelay $0x3  }
0xde: {  	[tilespmem:$0x6540] =	vst v13  }
0xdf: {  	v13 =	vld.idx.msk [tilespmem:v14+s8+$0x0], $0xffff  }
0xe0: {  	v14 =	vadd.s32 v7, v12;
	_ =	sdelay $0x3  }
0xe1: {  	[tilespmem:$0x6550] =	vst v13  }
0xe2: {  	v13 =	vld.idx.msk [tilespmem:v14+s8+$0x0], $0xffff  }
0xe3: {  	v12 =	vadd.s32 v8, v12;
	_ =	sdelay $0x3  }
0xe4: {  	[tilespmem:$0x6560] =	vst v13  }
0xe5: {  	v12 =	vld.idx.msk [tilespmem:v12+s8+$0x0], $0xffff;
	_ =	sdelay $0x4  }
0xe6: {  	[tilespmem:$0x6570] =	vst v12  }
0xe7: {  	[tilespmem:s17], [sflag:$0x3] =	stream.indirect.gather [hbm4b:s4+s9], $0x40, s16, s9, $0xb8;
	[tilespmem:$0x16E00] =	vst v63  }
0xe8: {  	_ =	swait.ge [sflag:s18], $0x2000  }
0xe9: {  	[sflag:s18] =	ssyncset.done $0x0  }
0xea: {  	s28 =	simm.s32 $0x8680;
	s29 =	simm.s32 $0x3;
	[sflag:s18] =	ssyncadd.s32 $0xFFFFE000  }
0xeb: {  	v12 =	vmov s29;
	v13 =	vld [tilespmem:s28+$0x40]  }
0xec: {  	v17 =	vand.u32 $0x7F, v12  }
0xed: {  	v14 =	vmov s8;
	v12 =	vadd.s32 v5, v17  }
0xee: {  	v16 =	vand.u32 $0x7C, v14;
	s8 =	simm.s32 $0x1;
	v15 =	vld [tilespmem:s28+$0xFFFFFF80]  }
0xef: {  	v20 =	vadd.s32 v5, v16;
	v14 =	vmov s8;
	s29 =	simm.s32 $0x2;
	v18 =	vld [tilespmem:s28+$0xFFFFFFC0]  }
0xf0: {  	v23 =	vand.u32 $0x7D, v14;
	v19 =	vmov s29;
	v14 =	vld [tilespmem:s28+$0x0];
	v13 =	vmul.f32 $8.000000000e+00, v13  }
0xf1: {  	v21 =	vadd.s32 v5, v23;
	v25 =	vand.u32 $0x7E, v19  }
0xf2: {  	v19 =	vadd.s32 v5, v25;
	[tilespmem:v12+s19+$0x0] =	vst.idx.msk $0xffff, v13  }
0xf3: {  	v12 =	vmul.f32 $8.000000000e+00, v15;
	v13 =	vld [tilespmem:s28+$0x50]  }
0xf4: {  	v15 =	vmul.f32 $8.000000000e+00, v18  }
0xf5: {  	[tilespmem:v20+s19+$0x0] =	vst.idx.msk $0xffff, v12;
	v12 =	vmul.f32 $8.000000000e+00, v14;
	v14 =	vadd.s32 v9, v17  }
0xf6: {  	[tilespmem:v21+s19+$0x0] =	vst.idx.msk $0xffff, v15;
	v18 =	vld [tilespmem:s28+$0xFFFFFF90]  }
0xf7: {  	v15 =	vld [tilespmem:s28+$0xFFFFFFD0];
	[tilespmem:v19+s19+$0x0] =	vst.idx.msk $0xffff, v12  }
0xf8: {  	v19 =	vld [tilespmem:s28+$0x10];
	v12 =	vmul.f32 $8.000000000e+00, v13  }
0xf9: {  	s5 =	simm.s32 $0x8780;
	s8 =	simm.s32 $0x4;
	s29 =	simm.s32 $0x7;
	v20 =	vadd.s32 v9, v23  }
0xfa: {  	v22 =	vld [tilespmem:s5+$0x40];
	v21 =	vadd.s32 v9, v25;
	v13 =	vmov s8;
	[tilespmem:v14+s19+$0x0] =	vst.idx.msk $0xffff, v12;
	v14 =	vmov s29  }
0xfb: {  	v24 =	vadd.s32 v9, v16;
	v12 =	vand.u32 $0x7C, v13;
	v13 =	vand.u32 $0x7F, v14;
	v26 =	vld [tilespmem:s28+$0x60]  }
0xfc: {  	v30 =	vadd.s32 v10, v17;
	v27 =	vld [tilespmem:s5+$0xFFFFFF80];
	s8 =	simm.s32 $0x5;
	v14 =	vmul.f32 $8.000000000e+00, v15;
	v28 =	vadd.s32 v5, v13  }
0xfd: {  	v29 =	vld [tilespmem:s5+$0xFFFFFFC0];
	v18 =	vmul.f32 $8.000000000e+00, v18;
	s29 =	simm.s32 $0x6;
	v15 =	vmul.f32 $8.000000000e+00, v19;
	v19 =	vmov s8  }
0xfe: {  	v31 =	vadd.s32 v5, v12;
	[tilespmem:v20+s19+$0x0] =	vst.idx.msk $0xffff, v14;
	v20 =	vmov s29;
	v14 =	vand.u32 $0x7D, v19;
	v19 =	vld [tilespmem:s5+$0x0]  }
0xff: {  	[tilespmem:v21+s19+$0x0] =	vst.idx.msk $0xffff, v15;
	v21 =	vadd.s32 v5, v14;
	v15 =	vand.u32 $0x7E, v20;
	v20 =	vmul.f32 $8.000000000e+00, v22;
	v22 =	vld [tilespmem:s28+$0xFFFFFFE0]  }
0x100: {  	[tilespmem:v24+s19+$0x0] =	vst.idx.msk $0xffff, v18;
	v18 =	vadd.s32 v5, v15;
	v24 =	vld [tilespmem:s28+$0x20];
	v26 =	vmul.f32 $8.000000000e+00, v26  }
0x101: {  	v27 =	vmul.f32 $8.000000000e+00, v27;
	[tilespmem:v28+s19+$0x0] =	vst.idx.msk $0xffff, v20;
	v20 =	vld [tilespmem:s28+$0xFFFFFFA0];
	v28 =	vadd.s32 v10, v23  }
0x102: {  	v33 =	vadd.s32 v10, v25;
	v29 =	vmul.f32 $8.000000000e+00, v29;
	v32 =	vld [tilespmem:s5+$0x50];
	[tilespmem:v30+s19+$0x0] =	vst.idx.msk $0xffff, v26  }
0x103: {  	[tilespmem:v31+s19+$0x0] =	vst.idx.msk $0xffff, v27;
	v27 =	vadd.s32 v10, v16;
	v19 =	vmul.f32 $8.000000000e+00, v19;
	v30 =	vld [tilespmem:s28+$0x70]  }
0x104: {  	v31 =	vld [tilespmem:s5+$0xFFFFFF90];
	[tilespmem:v21+s19+$0x0] =	vst.idx.msk $0xffff, v29;
	v29 =	vadd.s32 v9, v13;
	v22 =	vmul.f32 $8.000000000e+00, v22  }
0x105: {  	v35 =	vadd.s32 v11, v17;
	v34 =	vld [tilespmem:s5+$0xFFFFFFD0];
	[tilespmem:v18+s19+$0x0] =	vst.idx.msk $0xffff, v19;
	v18 =	vmul.f32 $8.000000000e+00, v24  }
0x106: {  	v26 =	vadd.s32 v9, v12;
	v21 =	vld [tilespmem:s5+$0x10];
	v17 =	vmul.f32 $8.000000000e+00, v20;
	[tilespmem:v28+s19+$0x0] =	vst.idx.msk $0xffff, v22  }
0x107: {  	s8 =	simm.s32 $0x8;
	v24 =	vadd.s32 v9, v14;
	[tilespmem:v33+s19+$0x0] =	vst.idx.msk $0xffff, v18;
	v22 =	vmul.f32 $8.000000000e+00, v32;
	v20 =	vld [tilespmem:s28+$0xFFFFFFF0]  }
0x108: {  	v28 =	vmov s8;
	v18 =	vadd.s32 v9, v15;
	v19 =	vld [tilespmem:s28+$0x30];
	[tilespmem:v27+s19+$0x0] =	vst.idx.msk $0xffff, v17;
	v63 =	vmul.f32 $8.000000000e+00, v30  }
0x109: {  	s7 =	simm.s32 $0x8880;
	s29 =	simm.s32 $0xB;
	v23 =	vadd.s32 v11, v23;
	v17 =	vand.u32 $0x7C, v28;
	v28 =	vmul.f32 $8.000000000e+00, v31;
	[tilespmem:v29+s19+$0x0] =	vst.idx.msk $0xffff, v22;
	v22 =	vld [tilespmem:s28+$0xFFFFFFB0]  }
0x10a: {  	v25 =	vadd.s32 v11, v25;
	v30 =	vmov s29;
	v27 =	vld [tilespmem:s7+$0x40];
	s28 =	simm.s32 $0xC;
	v29 =	vmul.f32 $8.000000000e+00, v34;
	[tilespmem:v35+s19+$0x0] =	vst.idx.msk $0xffff, v63  }
.LBB2_7:
0x10b: {  	p1 =	slt.u32 s28, $0x7C;
	s29 =	sadd.s32 $0x1, s8;
	v30 =	vand.u32 $0x7F, v30;
	[tilespmem:v26+s19+$0x0] =	vst.idx.msk $0xffff, v28;
	v21 =	vmul.f32 $8.000000000e+00, v21;
	v26 =	vld [tilespmem:s5+$0x60];
	v28 =	vadd.s32 v11, v16;
	v16 =	vmovc v12  }
0x10c: {  	v12 =	vmovc v17;
	v31 =	vld [tilespmem:s7+$0xFFFFFF80];
	v32 =	vmov s29;
	s29 =	sadd.s32 $0x2, s8;
	v33 =	vadd.s32 v5, v30;
	[tilespmem:v24+s19+$0x0] =	vst.idx.msk $0xffff, v29;
	v20 =	vmul.f32 $8.000000000e+00, v20;
	s8 =	smov.u32 s28  }
0x10d: {  	v17 =	vld [tilespmem:s7+$0xFFFFFFC0];
	v24 =	vmov s29;
	[tilespmem:v18+s19+$0x0] =	vst.idx.msk $0xffff, v21;
	v18 =	vadd.s32 v10, v13;
	v19 =	vmul.f32 $8.000000000e+00, v19  }
0x10e: {  	v21 =	vadd.s32 v5, v12;
	v29 =	vand.u32 $0x7D, v32;
	v32 =	vld [tilespmem:s7+$0x0];
	v22 =	vmul.f32 $8.000000000e+00, v22;
	[tilespmem:v23+s19+$0x0] =	vst.idx.msk $0xffff, v20  }
0x10f: {  	v20 =	vadd.s32 v5, v29;
	v34 =	vand.u32 $0x7E, v24;
	v23 =	vmul.f32 $8.000000000e+00, v27;
	v24 =	vld [tilespmem:s5+$0xFFFFFFE0];
	[tilespmem:v25+s19+$0x0] =	vst.idx.msk $0xffff, v19  }
0x110: {  	v19 =	vadd.s32 v5, v34;
	v25 =	vld [tilespmem:s5+$0x20];
	v26 =	vmul.f32 $8.000000000e+00, v26;
	[tilespmem:v28+s19+$0x0] =	vst.idx.msk $0xffff, v22  }
0x111: {  	v27 =	vadd.s32 v10, v14;
	v22 =	vmul.f32 $8.000000000e+00, v31;
	[tilespmem:v33+s19+$0x0] =	vst.idx.msk $0xffff, v23;
	v23 =	vld [tilespmem:s5+$0xFFFFFFA0]  }
0x112: {  	v31 =	vadd.s32 v10, v15;
	v17 =	vmul.f32 $8.000000000e+00, v17;
	v28 =	vld [tilespmem:s7+$0x50];
	[tilespmem:v18+s19+$0x0] =	vst.idx.msk $0xffff, v26  }
0x113: {  	[tilespmem:v21+s19+$0x0] =	vst.idx.msk $0xffff, v22;
	v18 =	vmul.f32 $8.000000000e+00, v32;
	v22 =	vadd.s32 v10, v16;
	v32 =	vld [tilespmem:s5+$0x70]  }
0x114: {  	v35 =	vadd.s32 v9, v30;
	v33 =	vld [tilespmem:s7+$0xFFFFFF90];
	[tilespmem:v20+s19+$0x0] =	vst.idx.msk $0xffff, v17;
	v17 =	vmul.f32 $8.000000000e+00, v24  }
0x115: {  	v37 =	vadd.s32 v11, v13;
	v13 =	vmov v30;
	v36 =	vld [tilespmem:s7+$0xFFFFFFD0];
	[tilespmem:v19+s19+$0x0] =	vst.idx.msk $0xffff, v18;
	v18 =	vmul.f32 $8.000000000e+00, v25  }
.Ltmp2:
0x116: {  	v26 =	vadd.s32 v9, v12;
	v21 =	vld [tilespmem:s7+$0x10];
	v19 =	vmul.f32 $8.000000000e+00, v23;
	[tilespmem:v27+s19+$0x0] =	vst.idx.msk $0xffff, v17;
	(pc) =	sbr.rel @p1 .LBB2_7-.Ltmp2, $4  }
0x117: {  	v24 =	vadd.s32 v9, v29;
	v23 =	vmul.f32 $8.000000000e+00, v28;
	v20 =	vld [tilespmem:s5+$0xFFFFFFF0];
	[tilespmem:v31+s19+$0x0] =	vst.idx.msk $0xffff, v18  }
0x118: {  	v17 =	vmov s28;
	v18 =	vadd.s32 v9, v34;
	[tilespmem:v22+s19+$0x0] =	vst.idx.msk $0xffff, v19;
	v19 =	vld [tilespmem:s5+$0x30];
	v31 =	vmul.f32 $8.000000000e+00, v32  }
0x119: {  	s29 =	sadd.s32 $0x3, s28;
	v17 =	vand.u32 $0x7C, v17;
	v28 =	vmul.f32 $8.000000000e+00, v33;
	[tilespmem:v35+s19+$0x0] =	vst.idx.msk $0xffff, v23;
	v22 =	vld [tilespmem:s5+$0xFFFFFFB0];
	v23 =	vadd.s32 v11, v14;
	v14 =	vmovc v29;
	s5 =	smov.u32 s7;
	s7 =	sadd.s32 $0x100, s7  }
0x11a: {  	v30 =	vmov s29;
	v25 =	vadd.s32 v11, v15;
	v15 =	vmovc v34;
	s28 =	sadd.s32 $0x4, s28;
	v27 =	vld [tilespmem:s7+$0x40];
	v29 =	vmul.f32 $8.000000000e+00, v36;
	[tilespmem:v37+s19+$0x0] =	vst.idx.msk $0xffff, v31  }
0x11b: {  	s28 =	sadd.s32 $0x1, s8;
	v30 =	vand.u32 $0x7F, v30;
	v36 =	vld [tilespmem:s7+$0xFFFFFF80]  }
0x11c: {  	s29 =	sadd.s32 $0x2, s8;
	v32 =	vld [tilespmem:s7+$0xFFFFFFC0];
	v31 =	vmov s28;
	v33 =	vadd.s32 v5, v30  }
0x11d: {  	v35 =	vld [tilespmem:s7+$0x0];
	v39 =	vadd.s32 v5, v17;
	v34 =	vmov s29;
	v31 =	vand.u32 $0x7D, v31  }
0x11e: {  	v34 =	vand.u32 $0x7E, v34;
	v37 =	vadd.s32 v5, v31  }
0x11f: {  	[tilespmem:v26+s19+$0x0] =	vst.idx.msk $0xffff, v28;
	v38 =	vadd.s32 v5, v34;
	v27 =	vmul.f32 $8.000000000e+00, v27  }
0x120: {  	[tilespmem:v24+s19+$0x0] =	vst.idx.msk $0xffff, v29;
	v42 =	vmul.f32 $8.000000000e+00, v36  }
0x121: {  	v40 =	vmul.f32 $8.000000000e+00, v32;
	[tilespmem:v33+s19+$0x0] =	vst.idx.msk $0xffff, v27  }
0x122: {  	v41 =	vmul.f32 $8.000000000e+00, v35;
	v43 =	vld [tilespmem:s7+$0x50];
	[tilespmem:v39+s19+$0x0] =	vst.idx.msk $0xffff, v42  }
0x123: {  	v21 =	vmul.f32 $8.000000000e+00, v21;
	v16 =	vadd.s32 v11, v16;
	[tilespmem:v37+s19+$0x0] =	vst.idx.msk $0xffff, v40;
	v47 =	vld [tilespmem:s7+$0xFFFFFF90]  }
0x124: {  	v20 =	vmul.f32 $8.000000000e+00, v20;
	v45 =	vadd.s32 v9, v30;
	[tilespmem:v38+s19+$0x0] =	vst.idx.msk $0xffff, v41;
	v44 =	vld [tilespmem:s7+$0xFFFFFFD0]  }
0x125: {  	v52 =	vadd.s32 v9, v17;
	[tilespmem:v18+s19+$0x0] =	vst.idx.msk $0xffff, v21;
	v46 =	vmul.f32 $8.000000000e+00, v19;
	v27 =	vld [tilespmem:s7+$0x10]  }
0x126: {  	v49 =	vld [tilespmem:s5+$0x60];
	v48 =	vadd.s32 v9, v31;
	v22 =	vmul.f32 $8.000000000e+00, v22;
	[tilespmem:v23+s19+$0x0] =	vst.idx.msk $0xffff, v20  }
0x127: {  	v51 =	vld [tilespmem:s5+$0xFFFFFFE0];
	v50 =	vadd.s32 v9, v34;
	[tilespmem:v25+s19+$0x0] =	vst.idx.msk $0xffff, v46;
	v24 =	vmul.f32 $8.000000000e+00, v43  }
0x128: {  	v53 =	vadd.s32 v10, v13;
	v54 =	vld [tilespmem:s5+$0x20];
	[tilespmem:v16+s19+$0x0] =	vst.idx.msk $0xffff, v22;
	v19 =	vmul.f32 $8.000000000e+00, v47  }
0x129: {  	v57 =	vadd.s32 v10, v14;
	v56 =	vld [tilespmem:s5+$0xFFFFFFA0];
	v55 =	vmul.f32 $8.000000000e+00, v44;
	[tilespmem:v45+s19+$0x0] =	vst.idx.msk $0xffff, v24  }
0x12a: {  	v59 =	vadd.s32 v10, v15;
	v58 =	vmul.f32 $8.000000000e+00, v27;
	v60 =	vld [tilespmem:s7+$0x60];
	[tilespmem:v52+s19+$0x0] =	vst.idx.msk $0xffff, v19  }
0x12b: {  	v62 =	vadd.s32 v10, v12;
	v61 =	vmul.f32 $8.000000000e+00, v49;
	[tilespmem:v48+s19+$0x0] =	vst.idx.msk $0xffff, v55;
	v37 =	vld [tilespmem:s7+$0xFFFFFFA0]  }
0x12c: {  	v33 =	vadd.s32 v10, v30;
	v23 =	vmul.f32 $8.000000000e+00, v51;
	[tilespmem:v50+s19+$0x0] =	vst.idx.msk $0xffff, v58;
	v63 =	vld [tilespmem:s7+$0xFFFFFFE0]  }
0x12d: {  	[tilespmem:v53+s19+$0x0] =	vst.idx.msk $0xffff, v61;
	v42 =	vadd.s32 v10, v17;
	v36 =	vmul.f32 $8.000000000e+00, v54;
	v35 =	vld [tilespmem:s7+$0x20]  }
0x12e: {  	v22 =	vmul.f32 $8.000000000e+00, v56;
	v38 =	vadd.s32 v10, v31;
	v39 =	vld [tilespmem:s5+$0x70];
	[tilespmem:v57+s19+$0x0] =	vst.idx.msk $0xffff, v23  }
0x12f: {  	v40 =	vadd.s32 v10, v34;
	v29 =	vld [tilespmem:s5+$0xFFFFFFF0];
	[tilespmem:v59+s19+$0x0] =	vst.idx.msk $0xffff, v36;
	v41 =	vmul.f32 $8.000000000e+00, v60  }
0x130: {  	[tilespmem:v62+s19+$0x0] =	vst.idx.msk $0xffff, v22;
	v43 =	vadd.s32 v11, v13;
	v44 =	vld [tilespmem:s5+$0x30];
	v48 =	vmul.f32 $8.000000000e+00, v37  }
0x131: {  	v22 =	vld [tilespmem:s5+$0xFFFFFFB0];
	v45 =	vadd.s32 v11, v14;
	v20 =	vmul.f32 $8.000000000e+00, v63;
	[tilespmem:v33+s19+$0x0] =	vst.idx.msk $0xffff, v41  }
0x132: {  	v47 =	vadd.s32 v11, v15;
	v46 =	vmul.f32 $8.000000000e+00, v35;
	v18 =	vld [tilespmem:s7+$0x70];
	[tilespmem:v42+s19+$0x0] =	vst.idx.msk $0xffff, v48  }
0x133: {  	v49 =	vmul.f32 $8.000000000e+00, v39;
	v50 =	vadd.s32 v11, v12;
	[tilespmem:v38+s19+$0x0] =	vst.idx.msk $0xffff, v20;
	v56 =	vld [tilespmem:s7+$0xFFFFFFB0]  }
0x134: {  	v53 =	vadd.s32 v11, v30;
	v52 =	vmul.f32 $8.000000000e+00, v29;
	[tilespmem:v40+s19+$0x0] =	vst.idx.msk $0xffff, v46;
	v51 =	vld [tilespmem:s7+$0xFFFFFFF0]  }
0x135: {  	[tilespmem:v43+s19+$0x0] =	vst.idx.msk $0xffff, v49;
	v55 =	vmul.f32 $8.000000000e+00, v44;
	v60 =	vadd.s32 v11, v17;
	v54 =	vld [tilespmem:s7+$0x30]  }
0x136: {  	v57 =	vadd.s32 v11, v31;
	v22 =	vmul.f32 $8.000000000e+00, v22;
	[tilespmem:v45+s19+$0x0] =	vst.idx.msk $0xffff, v52  }
0x137: {  	v58 =	vadd.s32 v11, v34;
	[tilespmem:v47+s19+$0x0] =	vst.idx.msk $0xffff, v55;
	v59 =	vmul.f32 $8.000000000e+00, v18  }
0x138: {  	[tilespmem:v50+s19+$0x0] =	vst.idx.msk $0xffff, v22;
	v63 =	vmul.f32 $8.000000000e+00, v56  }
0x139: {  	s7 =	sshll.u32 s10, $0x12;
	v61 =	vmul.f32 $8.000000000e+00, v51;
	[tilespmem:v53+s19+$0x0] =	vst.idx.msk $0xffff, v59  }
0x13a: {  	s5 =	sor.u32 s6, s7;
	v62 =	vmul.f32 $8.000000000e+00, v54;
	[tilespmem:v60+s19+$0x0] =	vst.idx.msk $0xffff, v63  }
0x13b: {  	s5 =	sshrl.u32 s5, $0x3;
	[tilespmem:v57+s19+$0x0] =	vst.idx.msk $0xffff, v61  }
0x13c: {  	s8 =	simm.s32 $0x10800;
	s7 =	sadd.s32 s2, s5;
	[tilespmem:v58+s19+$0x0] =	vst.idx.msk $0xffff, v62  }
0x13d: {  	[hbm4b:s7+s3] =	stream.linear.scatter [tilespmem:s8], [sflag:$0x6], $0x80, $0x38;
	[tilespmem:$0x16E00] =	vst v63  }
0x13e: {  	s10 =	simm.s32 $0x10888;
	s29 =	sadd.s32 $0x10, s7  }
0x13f: {  	[hbm4b:s29+s3] =	stream.linear.scatter [tilespmem:s10], [sflag:$0x6], $0x80, $0x38;
	[tilespmem:$0x16E00] =	vst v63  }
0x140: {  	s10 =	simm.s32 $0x10910;
	s29 =	sadd.s32 $0x20, s7  }
0x141: {  	[hbm4b:s29+s3] =	stream.linear.scatter [tilespmem:s10], [sflag:$0x6], $0x80, $0x38;
	[tilespmem:$0x16E00] =	vst v63  }
0x142: {  	s10 =	simm.s32 $0x10998;
	s29 =	sadd.s32 $0x30, s7  }
0x143: {  	[hbm4b:s29+s3] =	stream.linear.scatter [tilespmem:s10], [sflag:$0x6], $0x80, $0x38;
	[tilespmem:$0x16E00] =	vst v63  }
0x144: {  	s10 =	simm.s32 $0x10A20;
	s29 =	sadd.s32 $0x40, s7  }
0x145: {  	[hbm4b:s29+s3] =	stream.linear.scatter [tilespmem:s10], [sflag:$0x6], $0x80, $0x38;
	[tilespmem:$0x16E00] =	vst v63  }
0x146: {  	s5 =	simm.s32 $0x440;
	s10 =	simm.s32 $0x10AA8;
	s29 =	sadd.s32 $0x50, s7  }
0x147: {  	[hbm4b:s29+s3] =	stream.linear.scatter [tilespmem:s10], [sflag:$0x6], $0x80, $0x38;
	[tilespmem:$0x16E00] =	vst v63  }
0x148: {  	s28 =	sadd.s32 $0x70, s7;
	s10 =	simm.s32 $0x10B30;
	s29 =	sadd.s32 $0x60, s7  }
0x149: {  	[hbm4b:s29+s3] =	stream.linear.scatter [tilespmem:s10], [sflag:$0x6], $0x80, $0x38;
	[tilespmem:$0x16E00] =	vst v63  }
0x14a: {  	s8 =	simm.s32 $0x2200;
	s7 =	sadd.s32 $0x1000, s7;
	s10 =	simm.s32 $0x10BB8  }
.LBB2_9:
0x14b: {  	[hbm4b:s28+s3] =	stream.linear.scatter [tilespmem:s10], [sflag:$0x6], $0x80, $0x38;
	[tilespmem:$0x16E00] =	vst v63  }
0x14c: {  	s10 =	smov.u32 s5;
	s5 =	smov.u32 s8  }
0x14d: {  	s29 =	sadd.s32 $0x1100, s8;
	s5 =	sshra.s32 s5, $0x2;
	s28 =	sadd.s32 $0x10800, s10  }
0x14e: {  	[hbm4b:s7+s3] =	stream.linear.scatter [tilespmem:s28], [sflag:$0x6], $0x80, $0x38;
	[tilespmem:$0x16E00] =	vst v63  }
0x14f: {  	p1 =	sne.s32 s8, $0x7700;
	s8 =	sadd.s32 $0x10888, s10;
	s28 =	sadd.s32 $0x10, s7  }
0x150: {  	[hbm4b:s28+s3] =	stream.linear.scatter [tilespmem:s8], [sflag:$0x6], $0x80, $0x38;
	[tilespmem:$0x16E00] =	vst v63  }
0x151: {  	s8 =	sadd.s32 $0x10910, s10;
	s28 =	sadd.s32 $0x20, s7  }
0x152: {  	[hbm4b:s28+s3] =	stream.linear.scatter [tilespmem:s8], [sflag:$0x6], $0x80, $0x38;
	[tilespmem:$0x16E00] =	vst v63  }
0x153: {  	s8 =	sadd.s32 $0x10998, s10;
	s28 =	sadd.s32 $0x30, s7  }
0x154: {  	[hbm4b:s28+s3] =	stream.linear.scatter [tilespmem:s8], [sflag:$0x6], $0x80, $0x38;
	[tilespmem:$0x16E00] =	vst v63  }
0x155: {  	s8 =	sadd.s32 $0x10A20, s10;
	s28 =	sadd.s32 $0x40, s7  }
0x156: {  	[hbm4b:s28+s3] =	stream.linear.scatter [tilespmem:s8], [sflag:$0x6], $0x80, $0x38;
	[tilespmem:$0x16E00] =	vst v63  }
.Ltmp3:
0x157: {  	s8 =	sadd.s32 $0x10AA8, s10;
	s28 =	sadd.s32 $0x50, s7;
	(pc) =	sbr.rel @p1 .LBB2_9-.Ltmp3, $4  }
0x158: {  	[hbm4b:s28+s3] =	stream.linear.scatter [tilespmem:s8], [sflag:$0x6], $0x80, $0x38;
	[tilespmem:$0x16E00] =	vst v63  }
0x159: {  	s8 =	sadd.s32 $0x10B30, s10;
	s28 =	sadd.s32 $0x60, s7;
	s10 =	sadd.s32 $0x10BB8, s10  }
0x15a: {  	[hbm4b:s28+s3] =	stream.linear.scatter [tilespmem:s8], [sflag:$0x6], $0x80, $0x38;
	[tilespmem:$0x16E00] =	vst v63  }
0x15b: {  	s28 =	sadd.s32 $0x70, s7;
	s7 =	sadd.s32 $0x1000, s7;
	s8 =	smov.u32 s29  }
0x15c: {  	[hbm4b:s28+s3] =	stream.linear.scatter [tilespmem:s10], [sflag:$0x6], $0x80, $0x38;
	[tilespmem:$0x16E00] =	vst v63  }
0x15d: {  	s8 =	sadd.s32 $0x10800, s5  }
0x15e: {  	[hbm4b:s7+s3] =	stream.linear.scatter [tilespmem:s8], [sflag:$0x6], $0x80, $0x38;
	[tilespmem:$0x16E00] =	vst v63  }
0x15f: {  	s10 =	sadd.s32 $0x10888, s5;
	s29 =	sadd.s32 $0x10, s7  }
0x160: {  	[hbm4b:s29+s3] =	stream.linear.scatter [tilespmem:s10], [sflag:$0x6], $0x80, $0x38;
	[tilespmem:$0x16E00] =	vst v63  }
0x161: {  	s10 =	sadd.s32 $0x10910, s5;
	s29 =	sadd.s32 $0x20, s7  }
0x162: {  	[hbm4b:s29+s3] =	stream.linear.scatter [tilespmem:s10], [sflag:$0x6], $0x80, $0x38;
	[tilespmem:$0x16E00] =	vst v63  }
0x163: {  	s10 =	sadd.s32 $0x10998, s5;
	s29 =	sadd.s32 $0x30, s7  }
0x164: {  	[hbm4b:s29+s3] =	stream.linear.scatter [tilespmem:s10], [sflag:$0x6], $0x80, $0x38;
	[tilespmem:$0x16E00] =	vst v63  }
0x165: {  	s10 =	sadd.s32 $0x10A20, s5;
	s29 =	sadd.s32 $0x40, s7  }
0x166: {  	[hbm4b:s29+s3] =	stream.linear.scatter [tilespmem:s10], [sflag:$0x6], $0x80, $0x38;
	[tilespmem:$0x16E00] =	vst v63  }
0x167: {  	s10 =	sadd.s32 $0x10AA8, s5;
	s29 =	sadd.s32 $0x50, s7  }
0x168: {  	[hbm4b:s29+s3] =	stream.linear.scatter [tilespmem:s10], [sflag:$0x6], $0x80, $0x38;
	[tilespmem:$0x16E00] =	vst v63  }
0x169: {  	s10 =	sor.u32 $0x3, s0  }
0x16a: {  	s28 =	sadd.s32 $0x60, s7;
	s29 =	sadd.s32 $0x10B30, s5;
	v12 =	vmov s10  }
0x16b: {  	[hbm4b:s28+s3] =	stream.linear.scatter [tilespmem:s29], [sflag:$0x6], $0x80, $0x38;
	v12 =	vand.u32 $0xFF, v12;
	[tilespmem:$0x16E00] =	vst v63  }
0x16c: {  	s8 =	sadd.s32 $0x10BB8, s5;
	s5 =	simm.s32 @!p0 $0x8;
	s29 =	sadd.s32 $0x70, s7;
	v13 =	vadd.s32 v0, v12  }
0x16d: {  	[hbm4b:s29+s3] =	stream.linear.scatter [tilespmem:s8], [sflag:$0x6], $0x80, $0x38;
	[tilespmem:$0x16E00] =	vst v63  }
0x16e: {  	_ =	swait.ge @!p0 [sflag:s5], $0x2000  }
0x16f: {  	[sflag:s5] =	ssyncset.done @!p0 $0x0  }
0x170: {  	s8 =	simm.s32 $0x0;
	[sflag:s5] =	ssyncadd.s32 @!p0 $0xFFFFE000  }
0x171: {  	v13 =	vld.idx.msk [tilespmem:v13+s8+$0x0], $0xffff  }
0x172: {  	v14 =	vadd.s32 v1, v12;
	_ =	sdelay $0x3  }
0x173: {  	[tilespmem:$0x6580] =	vst v13  }
0x174: {  	v13 =	vld.idx.msk [tilespmem:v14+s8+$0x0], $0xffff  }
0x175: {  	v14 =	vadd.s32 v2, v12;
	_ =	sdelay $0x3  }
0x176: {  	[tilespmem:$0x6590] =	vst v13  }
0x177: {  	v13 =	vld.idx.msk [tilespmem:v14+s8+$0x0], $0xffff  }
0x178: {  	v14 =	vadd.s32 v3, v12;
	_ =	sdelay $0x3  }
0x179: {  	[tilespmem:$0x65A0] =	vst v13  }
0x17a: {  	v13 =	vld.idx.msk [tilespmem:v14+s8+$0x0], $0xffff  }
0x17b: {  	v14 =	vadd.s32 v4, v12;
	_ =	sdelay $0x3  }
0x17c: {  	[tilespmem:$0x65B0] =	vst v13  }
0x17d: {  	v13 =	vld.idx.msk [tilespmem:v14+s8+$0x0], $0xffff  }
0x17e: {  	v14 =	vadd.s32 v6, v12;
	_ =	sdelay $0x3  }
0x17f: {  	[tilespmem:$0x65C0] =	vst v13  }
0x180: {  	v13 =	vld.idx.msk [tilespmem:v14+s8+$0x0], $0xffff  }
0x181: {  	v14 =	vadd.s32 v7, v12;
	_ =	sdelay $0x3  }
0x182: {  	[tilespmem:$0x65D0] =	vst v13  }
0x183: {  	v13 =	vld.idx.msk [tilespmem:v14+s8+$0x0], $0xffff  }
0x184: {  	v12 =	vadd.s32 v8, v12;
	_ =	sdelay $0x3  }
0x185: {  	[tilespmem:$0x65E0] =	vst v13  }
0x186: {  	v12 =	vld.idx.msk [tilespmem:v12+s8+$0x0], $0xffff;
	_ =	sdelay $0x4  }
0x187: {  	[tilespmem:$0x65F0] =	vst v12  }
0x188: {  	[tilespmem:s21], [sflag:$0x4] =	stream.indirect.gather [hbm4b:s4+s9], $0x40, s20, s9, $0xb8;
	[tilespmem:$0x16E00] =	vst v63  }
0x189: {  	_ =	swait.ge [sflag:s22], $0x2000  }
0x18a: {  	[sflag:s22] =	ssyncset.done $0x0  }
0x18b: {  	s28 =	simm.s32 $0xA680;
	s29 =	simm.s32 $0x3;
	[sflag:s22] =	ssyncadd.s32 $0xFFFFE000  }
0x18c: {  	v12 =	vmov s29;
	v13 =	vld [tilespmem:s28+$0x40]  }
0x18d: {  	v17 =	vand.u32 $0x7F, v12  }
0x18e: {  	v14 =	vmov s8;
	v12 =	vadd.s32 v5, v17  }
0x18f: {  	v16 =	vand.u32 $0x7C, v14;
	s8 =	simm.s32 $0x1;
	v15 =	vld [tilespmem:s28+$0xFFFFFF80]  }
0x190: {  	v20 =	vadd.s32 v5, v16;
	v14 =	vmov s8;
	s29 =	simm.s32 $0x2;
	v18 =	vld [tilespmem:s28+$0xFFFFFFC0]  }
0x191: {  	v23 =	vand.u32 $0x7D, v14;
	v19 =	vmov s29;
	v14 =	vld [tilespmem:s28+$0x0];
	v13 =	vmul.f32 $8.000000000e+00, v13  }
0x192: {  	v21 =	vadd.s32 v5, v23;
	v25 =	vand.u32 $0x7E, v19  }
0x193: {  	v19 =	vadd.s32 v5, v25;
	[tilespmem:v12+s23+$0x0] =	vst.idx.msk $0xffff, v13  }
0x194: {  	v12 =	vmul.f32 $8.000000000e+00, v15;
	v13 =	vld [tilespmem:s28+$0x50]  }
0x195: {  	v15 =	vmul.f32 $8.000000000e+00, v18  }
0x196: {  	[tilespmem:v20+s23+$0x0] =	vst.idx.msk $0xffff, v12;
	v12 =	vmul.f32 $8.000000000e+00, v14;
	v14 =	vadd.s32 v9, v17  }
0x197: {  	[tilespmem:v21+s23+$0x0] =	vst.idx.msk $0xffff, v15;
	v18 =	vld [tilespmem:s28+$0xFFFFFF90]  }
0x198: {  	v15 =	vld [tilespmem:s28+$0xFFFFFFD0];
	[tilespmem:v19+s23+$0x0] =	vst.idx.msk $0xffff, v12  }
0x199: {  	v19 =	vld [tilespmem:s28+$0x10];
	v12 =	vmul.f32 $8.000000000e+00, v13  }
0x19a: {  	s5 =	simm.s32 $0xA780;
	s8 =	simm.s32 $0x4;
	s29 =	simm.s32 $0x7;
	v20 =	vadd.s32 v9, v23  }
0x19b: {  	v22 =	vld [tilespmem:s5+$0x40];
	v21 =	vadd.s32 v9, v25;
	v13 =	vmov s8;
	[tilespmem:v14+s23+$0x0] =	vst.idx.msk $0xffff, v12;
	v14 =	vmov s29  }
0x19c: {  	v24 =	vadd.s32 v9, v16;
	v12 =	vand.u32 $0x7C, v13;
	v13 =	vand.u32 $0x7F, v14;
	v26 =	vld [tilespmem:s28+$0x60]  }
0x19d: {  	v30 =	vadd.s32 v10, v17;
	v27 =	vld [tilespmem:s5+$0xFFFFFF80];
	s8 =	simm.s32 $0x5;
	v14 =	vmul.f32 $8.000000000e+00, v15;
	v28 =	vadd.s32 v5, v13  }
0x19e: {  	v29 =	vld [tilespmem:s5+$0xFFFFFFC0];
	v18 =	vmul.f32 $8.000000000e+00, v18;
	s29 =	simm.s32 $0x6;
	v15 =	vmul.f32 $8.000000000e+00, v19;
	v19 =	vmov s8  }
0x19f: {  	v31 =	vadd.s32 v5, v12;
	[tilespmem:v20+s23+$0x0] =	vst.idx.msk $0xffff, v14;
	v20 =	vmov s29;
	v14 =	vand.u32 $0x7D, v19;
	v19 =	vld [tilespmem:s5+$0x0]  }
0x1a0: {  	[tilespmem:v21+s23+$0x0] =	vst.idx.msk $0xffff, v15;
	v21 =	vadd.s32 v5, v14;
	v15 =	vand.u32 $0x7E, v20;
	v20 =	vmul.f32 $8.000000000e+00, v22;
	v22 =	vld [tilespmem:s28+$0xFFFFFFE0]  }
0x1a1: {  	[tilespmem:v24+s23+$0x0] =	vst.idx.msk $0xffff, v18;
	v18 =	vadd.s32 v5, v15;
	v24 =	vld [tilespmem:s28+$0x20];
	v26 =	vmul.f32 $8.000000000e+00, v26  }
0x1a2: {  	v27 =	vmul.f32 $8.000000000e+00, v27;
	[tilespmem:v28+s23+$0x0] =	vst.idx.msk $0xffff, v20;
	v20 =	vld [tilespmem:s28+$0xFFFFFFA0];
	v28 =	vadd.s32 v10, v23  }
0x1a3: {  	v33 =	vadd.s32 v10, v25;
	v29 =	vmul.f32 $8.000000000e+00, v29;
	v32 =	vld [tilespmem:s5+$0x50];
	[tilespmem:v30+s23+$0x0] =	vst.idx.msk $0xffff, v26  }
0x1a4: {  	[tilespmem:v31+s23+$0x0] =	vst.idx.msk $0xffff, v27;
	v27 =	vadd.s32 v10, v16;
	v19 =	vmul.f32 $8.000000000e+00, v19;
	v30 =	vld [tilespmem:s28+$0x70]  }
0x1a5: {  	v31 =	vld [tilespmem:s5+$0xFFFFFF90];
	[tilespmem:v21+s23+$0x0] =	vst.idx.msk $0xffff, v29;
	v29 =	vadd.s32 v9, v13;
	v22 =	vmul.f32 $8.000000000e+00, v22  }
0x1a6: {  	v35 =	vadd.s32 v11, v17;
	v34 =	vld [tilespmem:s5+$0xFFFFFFD0];
	[tilespmem:v18+s23+$0x0] =	vst.idx.msk $0xffff, v19;
	v18 =	vmul.f32 $8.000000000e+00, v24  }
0x1a7: {  	v26 =	vadd.s32 v9, v12;
	v21 =	vld [tilespmem:s5+$0x10];
	v17 =	vmul.f32 $8.000000000e+00, v20;
	[tilespmem:v28+s23+$0x0] =	vst.idx.msk $0xffff, v22  }
0x1a8: {  	s8 =	simm.s32 $0x8;
	v24 =	vadd.s32 v9, v14;
	[tilespmem:v33+s23+$0x0] =	vst.idx.msk $0xffff, v18;
	v22 =	vmul.f32 $8.000000000e+00, v32;
	v20 =	vld [tilespmem:s28+$0xFFFFFFF0]  }
0x1a9: {  	v28 =	vmov s8;
	v18 =	vadd.s32 v9, v15;
	v19 =	vld [tilespmem:s28+$0x30];
	[tilespmem:v27+s23+$0x0] =	vst.idx.msk $0xffff, v17;
	v63 =	vmul.f32 $8.000000000e+00, v30  }
0x1aa: {  	s7 =	simm.s32 $0xA880;
	s29 =	simm.s32 $0xB;
	v23 =	vadd.s32 v11, v23;
	v17 =	vand.u32 $0x7C, v28;
	v28 =	vmul.f32 $8.000000000e+00, v31;
	[tilespmem:v29+s23+$0x0] =	vst.idx.msk $0xffff, v22;
	v22 =	vld [tilespmem:s28+$0xFFFFFFB0]  }
0x1ab: {  	v25 =	vadd.s32 v11, v25;
	v30 =	vmov s29;
	v27 =	vld [tilespmem:s7+$0x40];
	s28 =	simm.s32 $0xC;
	v29 =	vmul.f32 $8.000000000e+00, v34;
	[tilespmem:v35+s23+$0x0] =	vst.idx.msk $0xffff, v63  }
.LBB2_11:
0x1ac: {  	p0 =	slt.u32 s28, $0x7C;
	s29 =	sadd.s32 $0x1, s8;
	v30 =	vand.u32 $0x7F, v30;
	[tilespmem:v26+s23+$0x0] =	vst.idx.msk $0xffff, v28;
	v21 =	vmul.f32 $8.000000000e+00, v21;
	v26 =	vld [tilespmem:s5+$0x60];
	v28 =	vadd.s32 v11, v16;
	v16 =	vmovc v12  }
0x1ad: {  	v12 =	vmovc v17;
	v31 =	vld [tilespmem:s7+$0xFFFFFF80];
	v32 =	vmov s29;
	s29 =	sadd.s32 $0x2, s8;
	v33 =	vadd.s32 v5, v30;
	[tilespmem:v24+s23+$0x0] =	vst.idx.msk $0xffff, v29;
	v20 =	vmul.f32 $8.000000000e+00, v20;
	s8 =	smov.u32 s28  }
0x1ae: {  	v17 =	vld [tilespmem:s7+$0xFFFFFFC0];
	v24 =	vmov s29;
	[tilespmem:v18+s23+$0x0] =	vst.idx.msk $0xffff, v21;
	v18 =	vadd.s32 v10, v13;
	v19 =	vmul.f32 $8.000000000e+00, v19  }
0x1af: {  	v21 =	vadd.s32 v5, v12;
	v29 =	vand.u32 $0x7D, v32;
	v32 =	vld [tilespmem:s7+$0x0];
	v22 =	vmul.f32 $8.000000000e+00, v22;
	[tilespmem:v23+s23+$0x0] =	vst.idx.msk $0xffff, v20  }
0x1b0: {  	v20 =	vadd.s32 v5, v29;
	v34 =	vand.u32 $0x7E, v24;
	v23 =	vmul.f32 $8.000000000e+00, v27;
	v24 =	vld [tilespmem:s5+$0xFFFFFFE0];
	[tilespmem:v25+s23+$0x0] =	vst.idx.msk $0xffff, v19  }
0x1b1: {  	v19 =	vadd.s32 v5, v34;
	v25 =	vld [tilespmem:s5+$0x20];
	v26 =	vmul.f32 $8.000000000e+00, v26;
	[tilespmem:v28+s23+$0x0] =	vst.idx.msk $0xffff, v22  }
0x1b2: {  	v27 =	vadd.s32 v10, v14;
	v22 =	vmul.f32 $8.000000000e+00, v31;
	[tilespmem:v33+s23+$0x0] =	vst.idx.msk $0xffff, v23;
	v23 =	vld [tilespmem:s5+$0xFFFFFFA0]  }
0x1b3: {  	v31 =	vadd.s32 v10, v15;
	v17 =	vmul.f32 $8.000000000e+00, v17;
	v28 =	vld [tilespmem:s7+$0x50];
	[tilespmem:v18+s23+$0x0] =	vst.idx.msk $0xffff, v26  }
0x1b4: {  	[tilespmem:v21+s23+$0x0] =	vst.idx.msk $0xffff, v22;
	v18 =	vmul.f32 $8.000000000e+00, v32;
	v22 =	vadd.s32 v10, v16;
	v32 =	vld [tilespmem:s5+$0x70]  }
0x1b5: {  	v35 =	vadd.s32 v9, v30;
	v33 =	vld [tilespmem:s7+$0xFFFFFF90];
	[tilespmem:v20+s23+$0x0] =	vst.idx.msk $0xffff, v17;
	v17 =	vmul.f32 $8.000000000e+00, v24  }
0x1b6: {  	v37 =	vadd.s32 v11, v13;
	v13 =	vmov v30;
	v36 =	vld [tilespmem:s7+$0xFFFFFFD0];
	[tilespmem:v19+s23+$0x0] =	vst.idx.msk $0xffff, v18;
	v18 =	vmul.f32 $8.000000000e+00, v25  }
.Ltmp4:
0x1b7: {  	v26 =	vadd.s32 v9, v12;
	v21 =	vld [tilespmem:s7+$0x10];
	v19 =	vmul.f32 $8.000000000e+00, v23;
	[tilespmem:v27+s23+$0x0] =	vst.idx.msk $0xffff, v17;
	(pc) =	sbr.rel @p0 .LBB2_11-.Ltmp4, $4  }
0x1b8: {  	v24 =	vadd.s32 v9, v29;
	v23 =	vmul.f32 $8.000000000e+00, v28;
	v20 =	vld [tilespmem:s5+$0xFFFFFFF0];
	[tilespmem:v31+s23+$0x0] =	vst.idx.msk $0xffff, v18  }
0x1b9: {  	v17 =	vmov s28;
	v18 =	vadd.s32 v9, v34;
	[tilespmem:v22+s23+$0x0] =	vst.idx.msk $0xffff, v19;
	v19 =	vld [tilespmem:s5+$0x30];
	v31 =	vmul.f32 $8.000000000e+00, v32  }
0x1ba: {  	s29 =	sadd.s32 $0x3, s28;
	v17 =	vand.u32 $0x7C, v17;
	v28 =	vmul.f32 $8.000000000e+00, v33;
	[tilespmem:v35+s23+$0x0] =	vst.idx.msk $0xffff, v23;
	v22 =	vld [tilespmem:s5+$0xFFFFFFB0];
	v23 =	vadd.s32 v11, v14;
	v14 =	vmovc v29;
	s5 =	smov.u32 s7;
	s7 =	sadd.s32 $0x100, s7  }
0x1bb: {  	v30 =	vmov s29;
	v25 =	vadd.s32 v11, v15;
	v15 =	vmovc v34;
	s28 =	sadd.s32 $0x4, s28;
	v27 =	vld [tilespmem:s7+$0x40];
	v29 =	vmul.f32 $8.000000000e+00, v36;
	[tilespmem:v37+s23+$0x0] =	vst.idx.msk $0xffff, v31  }
0x1bc: {  	s28 =	sadd.s32 $0x1, s8;
	v30 =	vand.u32 $0x7F, v30;
	v36 =	vld [tilespmem:s7+$0xFFFFFF80]  }
0x1bd: {  	s29 =	sadd.s32 $0x2, s8;
	v32 =	vld [tilespmem:s7+$0xFFFFFFC0];
	v31 =	vmov s28;
	v33 =	vadd.s32 v5, v30  }
0x1be: {  	v35 =	vld [tilespmem:s7+$0x0];
	v39 =	vadd.s32 v5, v17;
	v34 =	vmov s29;
	v31 =	vand.u32 $0x7D, v31  }
0x1bf: {  	v34 =	vand.u32 $0x7E, v34;
	v37 =	vadd.s32 v5, v31  }
0x1c0: {  	[tilespmem:v26+s23+$0x0] =	vst.idx.msk $0xffff, v28;
	v38 =	vadd.s32 v5, v34;
	v27 =	vmul.f32 $8.000000000e+00, v27  }
0x1c1: {  	[tilespmem:v24+s23+$0x0] =	vst.idx.msk $0xffff, v29;
	v42 =	vmul.f32 $8.000000000e+00, v36  }
0x1c2: {  	v40 =	vmul.f32 $8.000000000e+00, v32;
	[tilespmem:v33+s23+$0x0] =	vst.idx.msk $0xffff, v27  }
0x1c3: {  	v41 =	vmul.f32 $8.000000000e+00, v35;
	v43 =	vld [tilespmem:s7+$0x50];
	[tilespmem:v39+s23+$0x0] =	vst.idx.msk $0xffff, v42  }
0x1c4: {  	v21 =	vmul.f32 $8.000000000e+00, v21;
	v16 =	vadd.s32 v11, v16;
	[tilespmem:v37+s23+$0x0] =	vst.idx.msk $0xffff, v40;
	v47 =	vld [tilespmem:s7+$0xFFFFFF90]  }
0x1c5: {  	v20 =	vmul.f32 $8.000000000e+00, v20;
	v45 =	vadd.s32 v9, v30;
	[tilespmem:v38+s23+$0x0] =	vst.idx.msk $0xffff, v41;
	v44 =	vld [tilespmem:s7+$0xFFFFFFD0]  }
0x1c6: {  	v52 =	vadd.s32 v9, v17;
	[tilespmem:v18+s23+$0x0] =	vst.idx.msk $0xffff, v21;
	v46 =	vmul.f32 $8.000000000e+00, v19;
	v27 =	vld [tilespmem:s7+$0x10]  }
0x1c7: {  	v49 =	vld [tilespmem:s5+$0x60];
	v48 =	vadd.s32 v9, v31;
	v22 =	vmul.f32 $8.000000000e+00, v22;
	[tilespmem:v23+s23+$0x0] =	vst.idx.msk $0xffff, v20  }
0x1c8: {  	v51 =	vld [tilespmem:s5+$0xFFFFFFE0];
	v50 =	vadd.s32 v9, v34;
	[tilespmem:v25+s23+$0x0] =	vst.idx.msk $0xffff, v46;
	v24 =	vmul.f32 $8.000000000e+00, v43  }
0x1c9: {  	v53 =	vadd.s32 v10, v13;
	v54 =	vld [tilespmem:s5+$0x20];
	[tilespmem:v16+s23+$0x0] =	vst.idx.msk $0xffff, v22;
	v19 =	vmul.f32 $8.000000000e+00, v47  }
0x1ca: {  	v57 =	vadd.s32 v10, v14;
	v56 =	vld [tilespmem:s5+$0xFFFFFFA0];
	v55 =	vmul.f32 $8.000000000e+00, v44;
	[tilespmem:v45+s23+$0x0] =	vst.idx.msk $0xffff, v24  }
0x1cb: {  	v59 =	vadd.s32 v10, v15;
	v58 =	vmul.f32 $8.000000000e+00, v27;
	v60 =	vld [tilespmem:s7+$0x60];
	[tilespmem:v52+s23+$0x0] =	vst.idx.msk $0xffff, v19  }
0x1cc: {  	v62 =	vadd.s32 v10, v12;
	v61 =	vmul.f32 $8.000000000e+00, v49;
	[tilespmem:v48+s23+$0x0] =	vst.idx.msk $0xffff, v55;
	v37 =	vld [tilespmem:s7+$0xFFFFFFA0]  }
0x1cd: {  	v33 =	vadd.s32 v10, v30;
	v23 =	vmul.f32 $8.000000000e+00, v51;
	[tilespmem:v50+s23+$0x0] =	vst.idx.msk $0xffff, v58;
	v63 =	vld [tilespmem:s7+$0xFFFFFFE0]  }
0x1ce: {  	[tilespmem:v53+s23+$0x0] =	vst.idx.msk $0xffff, v61;
	v42 =	vadd.s32 v10, v17;
	v36 =	vmul.f32 $8.000000000e+00, v54;
	v35 =	vld [tilespmem:s7+$0x20]  }
0x1cf: {  	v22 =	vmul.f32 $8.000000000e+00, v56;
	v38 =	vadd.s32 v10, v31;
	v39 =	vld [tilespmem:s5+$0x70];
	[tilespmem:v57+s23+$0x0] =	vst.idx.msk $0xffff, v23  }
0x1d0: {  	v40 =	vadd.s32 v10, v34;
	v29 =	vld [tilespmem:s5+$0xFFFFFFF0];
	[tilespmem:v59+s23+$0x0] =	vst.idx.msk $0xffff, v36;
	v41 =	vmul.f32 $8.000000000e+00, v60  }
0x1d1: {  	[tilespmem:v62+s23+$0x0] =	vst.idx.msk $0xffff, v22;
	v43 =	vadd.s32 v11, v13;
	v44 =	vld [tilespmem:s5+$0x30];
	v48 =	vmul.f32 $8.000000000e+00, v37  }
0x1d2: {  	v22 =	vld [tilespmem:s5+$0xFFFFFFB0];
	v45 =	vadd.s32 v11, v14;
	v20 =	vmul.f32 $8.000000000e+00, v63;
	[tilespmem:v33+s23+$0x0] =	vst.idx.msk $0xffff, v41  }
0x1d3: {  	v47 =	vadd.s32 v11, v15;
	v46 =	vmul.f32 $8.000000000e+00, v35;
	v18 =	vld [tilespmem:s7+$0x70];
	[tilespmem:v42+s23+$0x0] =	vst.idx.msk $0xffff, v48  }
0x1d4: {  	v49 =	vmul.f32 $8.000000000e+00, v39;
	v50 =	vadd.s32 v11, v12;
	[tilespmem:v38+s23+$0x0] =	vst.idx.msk $0xffff, v20;
	v56 =	vld [tilespmem:s7+$0xFFFFFFB0]  }
0x1d5: {  	v53 =	vadd.s32 v11, v30;
	v52 =	vmul.f32 $8.000000000e+00, v29;
	[tilespmem:v40+s23+$0x0] =	vst.idx.msk $0xffff, v46;
	v51 =	vld [tilespmem:s7+$0xFFFFFFF0]  }
0x1d6: {  	[tilespmem:v43+s23+$0x0] =	vst.idx.msk $0xffff, v49;
	v55 =	vmul.f32 $8.000000000e+00, v44;
	v60 =	vadd.s32 v11, v17;
	v54 =	vld [tilespmem:s7+$0x30]  }
0x1d7: {  	v57 =	vadd.s32 v11, v31;
	v22 =	vmul.f32 $8.000000000e+00, v22;
	[tilespmem:v45+s23+$0x0] =	vst.idx.msk $0xffff, v52  }
0x1d8: {  	v58 =	vadd.s32 v11, v34;
	[tilespmem:v47+s23+$0x0] =	vst.idx.msk $0xffff, v55;
	v59 =	vmul.f32 $8.000000000e+00, v18  }
0x1d9: {  	[tilespmem:v50+s23+$0x0] =	vst.idx.msk $0xffff, v22;
	v63 =	vmul.f32 $8.000000000e+00, v56  }
0x1da: {  	s7 =	sshll.u32 s11, $0x12;
	v61 =	vmul.f32 $8.000000000e+00, v51;
	[tilespmem:v53+s23+$0x0] =	vst.idx.msk $0xffff, v59  }
0x1db: {  	s5 =	sor.u32 s6, s7;
	v62 =	vmul.f32 $8.000000000e+00, v54;
	[tilespmem:v60+s23+$0x0] =	vst.idx.msk $0xffff, v63  }
0x1dc: {  	s5 =	sshrl.u32 s5, $0x3;
	[tilespmem:v57+s23+$0x0] =	vst.idx.msk $0xffff, v61  }
0x1dd: {  	s8 =	simm.s32 $0x12A00;
	s7 =	sadd.s32 s2, s5;
	[tilespmem:v58+s23+$0x0] =	vst.idx.msk $0xffff, v62  }
0x1de: {  	[hbm4b:s7+s3] =	stream.linear.scatter [tilespmem:s8], [sflag:$0x7], $0x80, $0x38;
	[tilespmem:$0x16E00] =	vst v63  }
0x1df: {  	s11 =	simm.s32 $0x12A88;
	s29 =	sadd.s32 $0x10, s7  }
0x1e0: {  	[hbm4b:s29+s3] =	stream.linear.scatter [tilespmem:s11], [sflag:$0x7], $0x80, $0x38;
	[tilespmem:$0x16E00] =	vst v63  }
0x1e1: {  	s11 =	simm.s32 $0x12B10;
	s29 =	sadd.s32 $0x20, s7  }
0x1e2: {  	[hbm4b:s29+s3] =	stream.linear.scatter [tilespmem:s11], [sflag:$0x7], $0x80, $0x38;
	[tilespmem:$0x16E00] =	vst v63  }
0x1e3: {  	s11 =	simm.s32 $0x12B98;
	s29 =	sadd.s32 $0x30, s7  }
0x1e4: {  	[hbm4b:s29+s3] =	stream.linear.scatter [tilespmem:s11], [sflag:$0x7], $0x80, $0x38;
	[tilespmem:$0x16E00] =	vst v63  }
0x1e5: {  	s11 =	simm.s32 $0x12C20;
	s29 =	sadd.s32 $0x40, s7  }
0x1e6: {  	[hbm4b:s29+s3] =	stream.linear.scatter [tilespmem:s11], [sflag:$0x7], $0x80, $0x38;
	[tilespmem:$0x16E00] =	vst v63  }
0x1e7: {  	s5 =	simm.s32 $0x440;
	s11 =	simm.s32 $0x12CA8;
	s29 =	sadd.s32 $0x50, s7  }
0x1e8: {  	[hbm4b:s29+s3] =	stream.linear.scatter [tilespmem:s11], [sflag:$0x7], $0x80, $0x38;
	[tilespmem:$0x16E00] =	vst v63  }
0x1e9: {  	s28 =	sadd.s32 $0x70, s7;
	s11 =	simm.s32 $0x12D30;
	s29 =	sadd.s32 $0x60, s7  }
0x1ea: {  	[hbm4b:s29+s3] =	stream.linear.scatter [tilespmem:s11], [sflag:$0x7], $0x80, $0x38;
	[tilespmem:$0x16E00] =	vst v63  }
0x1eb: {  	s8 =	simm.s32 $0x2200;
	s7 =	sadd.s32 $0x1000, s7;
	s11 =	simm.s32 $0x12DB8  }
.LBB2_13:
0x1ec: {  	[hbm4b:s28+s3] =	stream.linear.scatter [tilespmem:s11], [sflag:$0x7], $0x80, $0x38;
	[tilespmem:$0x16E00] =	vst v63  }
0x1ed: {  	s11 =	smov.u32 s5;
	s5 =	smov.u32 s8  }
0x1ee: {  	s29 =	sadd.s32 $0x1100, s8;
	s5 =	sshra.s32 s5, $0x2;
	s28 =	sadd.s32 $0x12A00, s11  }
0x1ef: {  	[hbm4b:s7+s3] =	stream.linear.scatter [tilespmem:s28], [sflag:$0x7], $0x80, $0x38;
	[tilespmem:$0x16E00] =	vst v63  }
0x1f0: {  	p0 =	sne.s32 s8, $0x7700;
	s8 =	sadd.s32 $0x12A88, s11;
	s28 =	sadd.s32 $0x10, s7  }
0x1f1: {  	[hbm4b:s28+s3] =	stream.linear.scatter [tilespmem:s8], [sflag:$0x7], $0x80, $0x38;
	[tilespmem:$0x16E00] =	vst v63  }
0x1f2: {  	s8 =	sadd.s32 $0x12B10, s11;
	s28 =	sadd.s32 $0x20, s7  }
0x1f3: {  	[hbm4b:s28+s3] =	stream.linear.scatter [tilespmem:s8], [sflag:$0x7], $0x80, $0x38;
	[tilespmem:$0x16E00] =	vst v63  }
0x1f4: {  	s8 =	sadd.s32 $0x12B98, s11;
	s28 =	sadd.s32 $0x30, s7  }
0x1f5: {  	[hbm4b:s28+s3] =	stream.linear.scatter [tilespmem:s8], [sflag:$0x7], $0x80, $0x38;
	[tilespmem:$0x16E00] =	vst v63  }
0x1f6: {  	s8 =	sadd.s32 $0x12C20, s11;
	s28 =	sadd.s32 $0x40, s7  }
0x1f7: {  	[hbm4b:s28+s3] =	stream.linear.scatter [tilespmem:s8], [sflag:$0x7], $0x80, $0x38;
	[tilespmem:$0x16E00] =	vst v63  }
.Ltmp5:
0x1f8: {  	s8 =	sadd.s32 $0x12CA8, s11;
	s28 =	sadd.s32 $0x50, s7;
	(pc) =	sbr.rel @p0 .LBB2_13-.Ltmp5, $4  }
0x1f9: {  	[hbm4b:s28+s3] =	stream.linear.scatter [tilespmem:s8], [sflag:$0x7], $0x80, $0x38;
	[tilespmem:$0x16E00] =	vst v63  }
0x1fa: {  	s8 =	sadd.s32 $0x12D30, s11;
	s28 =	sadd.s32 $0x60, s7;
	s11 =	sadd.s32 $0x12DB8, s11  }
0x1fb: {  	[hbm4b:s28+s3] =	stream.linear.scatter [tilespmem:s8], [sflag:$0x7], $0x80, $0x38;
	[tilespmem:$0x16E00] =	vst v63  }
0x1fc: {  	s28 =	sadd.s32 $0x70, s7;
	s7 =	sadd.s32 $0x1000, s7;
	s8 =	smov.u32 s29  }
0x1fd: {  	[hbm4b:s28+s3] =	stream.linear.scatter [tilespmem:s11], [sflag:$0x7], $0x80, $0x38;
	[tilespmem:$0x16E00] =	vst v63  }
0x1fe: {  	s8 =	sadd.s32 $0x12A00, s5  }
0x1ff: {  	[hbm4b:s7+s3] =	stream.linear.scatter [tilespmem:s8], [sflag:$0x7], $0x80, $0x38;
	[tilespmem:$0x16E00] =	vst v63  }
0x200: {  	s28 =	sadd.s32 $0x12A88, s5;
	s29 =	sadd.s32 $0x10, s7  }
0x201: {  	[hbm4b:s29+s3] =	stream.linear.scatter [tilespmem:s28], [sflag:$0x7], $0x80, $0x38;
	[tilespmem:$0x16E00] =	vst v63  }
0x202: {  	s28 =	sadd.s32 $0x12B10, s5;
	s29 =	sadd.s32 $0x20, s7  }
0x203: {  	[hbm4b:s29+s3] =	stream.linear.scatter [tilespmem:s28], [sflag:$0x7], $0x80, $0x38;
	[tilespmem:$0x16E00] =	vst v63  }
0x204: {  	s28 =	sadd.s32 $0x12B98, s5;
	s29 =	sadd.s32 $0x30, s7  }
0x205: {  	[hbm4b:s29+s3] =	stream.linear.scatter [tilespmem:s28], [sflag:$0x7], $0x80, $0x38;
	[tilespmem:$0x16E00] =	vst v63  }
0x206: {  	p0 =	seq.s32 s1, $0x31;
	s28 =	sadd.s32 $0x12C20, s5;
	s29 =	sadd.s32 $0x40, s7  }
0x207: {  	[hbm4b:s29+s3] =	stream.linear.scatter [tilespmem:s28], [sflag:$0x7], $0x80, $0x38;
	[tilespmem:$0x16E00] =	vst v63  }
0x208: {  	s0 =	sadd.s32 @!p0 $0x4, s0;
	s28 =	sadd.s32 $0x12CA8, s5;
	s29 =	sadd.s32 $0x50, s7  }
0x209: {  	v12 =	vlaneseq.u32 @!p0;
	[hbm4b:s29+s3] =	stream.linear.scatter [tilespmem:s28], [sflag:$0x7], $0x80, $0x38;
	[tilespmem:$0x16E00] =	vst v63  }
0x20a: {  	v13 =	vmov @!p0 s0;
	v12 =	vmul.u32 @!p0 $0xC8, v12;
	s28 =	sadd.s32 $0x12D30, s5;
	s29 =	sadd.s32 $0x60, s7  }
0x20b: {  	v13 =	vand.u32 @!p0 $0x1FC, v13;
	[hbm4b:s29+s3] =	stream.linear.scatter [tilespmem:s28], [sflag:$0x7], $0x80, $0x38;
	[tilespmem:$0x16E00] =	vst v63  }
0x20c: {  	s11 =	sadd.s32 $0x12DB8, s5;
	v14 =	vadd.s32 @!p0 v12, v13;
	s28 =	sadd.s32 $0x70, s7  }
0x20d: {  	[hbm4b:s28+s3] =	stream.linear.scatter [tilespmem:s11], [sflag:$0x7], $0x80, $0x38;
	[tilespmem:$0x16E00] =	vst v63  }
0x20e: {  	_ =	swait.ge [sflag:s24], $0x2000  }
0x20f: {  	[sflag:s24] =	ssyncset.done $0x0  }
0x210: {  	s0 =	simm.s32 @!p0 $0x0;
	[sflag:s24] =	ssyncadd.s32 $0xFFFFE000  }
0x211: {  	v15 =	vadd.s32 @!p0 $0xC80, v12;
	v14 =	vld.idx.msk @!p0 [tilespmem:v14+s0+$0x0], $0xffff  }
0x212: {  	v15 =	vadd.s32 @!p0 v15, v13;
	_ =	sdelay $0x3  }
0x213: {  	[tilespmem:$0x6400] =	vst @!p0 v14  }
0x214: {  	v14 =	vld.idx.msk @!p0 [tilespmem:v15+s0+$0x0], $0xffff;
	v15 =	vadd.s32 @!p0 $0x1900, v12  }
0x215: {  	v15 =	vadd.s32 @!p0 v15, v13;
	_ =	sdelay $0x3  }
0x216: {  	[tilespmem:$0x6410] =	vst @!p0 v14  }
0x217: {  	v14 =	vld.idx.msk @!p0 [tilespmem:v15+s0+$0x0], $0xffff;
	v15 =	vadd.s32 @!p0 $0x2580, v12  }
0x218: {  	v15 =	vadd.s32 @!p0 v15, v13;
	_ =	sdelay $0x3  }
0x219: {  	[tilespmem:$0x6420] =	vst @!p0 v14  }
0x21a: {  	v14 =	vld.idx.msk @!p0 [tilespmem:v15+s0+$0x0], $0xffff;
	v15 =	vadd.s32 @!p0 $0x3200, v12  }
0x21b: {  	v15 =	vadd.s32 @!p0 v15, v13;
	_ =	sdelay $0x3  }
0x21c: {  	[tilespmem:$0x6430] =	vst @!p0 v14  }
0x21d: {  	v14 =	vld.idx.msk @!p0 [tilespmem:v15+s0+$0x0], $0xffff;
	v15 =	vadd.s32 @!p0 $0x3E80, v12  }
0x21e: {  	v15 =	vadd.s32 @!p0 v15, v13;
	_ =	sdelay $0x3  }
0x21f: {  	[tilespmem:$0x6440] =	vst @!p0 v14  }
0x220: {  	v14 =	vld.idx.msk @!p0 [tilespmem:v15+s0+$0x0], $0xffff;
	v15 =	vadd.s32 @!p0 $0x4B00, v12  }
0x221: {  	v15 =	vadd.s32 @!p0 v15, v13;
	_ =	sdelay $0x3  }
0x222: {  	[tilespmem:$0x6450] =	vst @!p0 v14  }
0x223: {  	v12 =	vadd.s32 @!p0 $0x5780, v12;
	v14 =	vld.idx.msk @!p0 [tilespmem:v15+s0+$0x0], $0xffff  }
0x224: {  	v12 =	vadd.s32 @!p0 v12, v13;
	_ =	sdelay $0x3  }
0x225: {  	[tilespmem:$0x6460] =	vst @!p0 v14  }
0x226: {  	v12 =	vld.idx.msk @!p0 [tilespmem:v12+s0+$0x0], $0xffff;
	_ =	sdelay $0x4  }
0x227: {  	s5 =	simm.s32 @!p0 $0x6400;
	s7 =	simm.s32 @!p0 $0x6600;
	s0 =	simm.s32 @!p0 $0x80;
	[tilespmem:$0x6470] =	vst @!p0 v12  }
0x228: {  	[tilespmem:s7], [sflag:$0x1] =	stream.indirect.gather @!p0 [hbm4b:s4+s0], $0x40, s5, s0, $0xb8;
	[tilespmem:$0x16E00] =	vst v63  }
0x229: {  	_ =	swait.ge [sflag:s25], $0x2000  }
0x22a: {  	[sflag:s25] =	ssyncset.done $0x0  }
0x22b: {  	s8 =	simm.s32 $0xC680;
	s29 =	simm.s32 $0x3;
	[sflag:s25] =	ssyncadd.s32 $0xFFFFE000  }
0x22c: {  	v12 =	vmov s29;
	v13 =	vld [tilespmem:s8+$0x40]  }
0x22d: {  	v17 =	vand.u32 $0x7F, v12  }
0x22e: {  	s5 =	simm.s32 $0x0;
	v12 =	vadd.s32 v5, v17  }
0x22f: {  	s11 =	simm.s32 $0x2;
	s7 =	simm.s32 $0x1;
	v14 =	vmov s5;
	v15 =	vld [tilespmem:s8+$0xFFFFFF80]  }
0x230: {  	v19 =	vmov s11;
	v16 =	vand.u32 $0x7C, v14;
	v14 =	vmov s7;
	v18 =	vld [tilespmem:s8+$0xFFFFFFC0]  }
0x231: {  	v20 =	vadd.s32 v5, v16;
	v23 =	vand.u32 $0x7D, v14;
	v14 =	vld [tilespmem:s8+$0x0];
	v13 =	vmul.f32 $8.000000000e+00, v13  }
0x232: {  	v25 =	vand.u32 $0x7E, v19;
	v21 =	vadd.s32 v5, v23  }
0x233: {  	v19 =	vadd.s32 v5, v25;
	[tilespmem:v12+s26+$0x0] =	vst.idx.msk $0xffff, v13  }
0x234: {  	v12 =	vmul.f32 $8.000000000e+00, v15;
	v13 =	vld [tilespmem:s8+$0x50]  }
0x235: {  	v15 =	vmul.f32 $8.000000000e+00, v18  }
0x236: {  	[tilespmem:v20+s26+$0x0] =	vst.idx.msk $0xffff, v12;
	v12 =	vmul.f32 $8.000000000e+00, v14;
	v14 =	vadd.s32 v9, v17  }
0x237: {  	[tilespmem:v21+s26+$0x0] =	vst.idx.msk $0xffff, v15;
	v18 =	vld [tilespmem:s8+$0xFFFFFF90]  }
0x238: {  	v15 =	vld [tilespmem:s8+$0xFFFFFFD0];
	[tilespmem:v19+s26+$0x0] =	vst.idx.msk $0xffff, v12  }
0x239: {  	v19 =	vld [tilespmem:s8+$0x10];
	v12 =	vmul.f32 $8.000000000e+00, v13  }
0x23a: {  	s28 =	simm.s32 $0x4;
	s29 =	simm.s32 $0x7;
	s0 =	simm.s32 $0xC780;
	v20 =	vadd.s32 v9, v23  }
0x23b: {  	v22 =	vld [tilespmem:s0+$0x40];
	v21 =	vadd.s32 v9, v25;
	v13 =	vmov s28;
	[tilespmem:v14+s26+$0x0] =	vst.idx.msk $0xffff, v12;
	v14 =	vmov s29  }
0x23c: {  	v24 =	vadd.s32 v9, v16;
	v12 =	vand.u32 $0x7C, v13;
	v13 =	vand.u32 $0x7F, v14;
	v26 =	vld [tilespmem:s8+$0x60]  }
0x23d: {  	s11 =	simm.s32 $0x5;
	v30 =	vadd.s32 v10, v17;
	v27 =	vld [tilespmem:s0+$0xFFFFFF80];
	v14 =	vmul.f32 $8.000000000e+00, v15;
	v28 =	vadd.s32 v5, v13  }
0x23e: {  	v29 =	vld [tilespmem:s0+$0xFFFFFFC0];
	s28 =	simm.s32 $0x6;
	v18 =	vmul.f32 $8.000000000e+00, v18;
	v15 =	vmul.f32 $8.000000000e+00, v19;
	v19 =	vmov s11  }
0x23f: {  	v31 =	vadd.s32 v5, v12;
	[tilespmem:v20+s26+$0x0] =	vst.idx.msk $0xffff, v14;
	v20 =	vmov s28;
	v14 =	vand.u32 $0x7D, v19;
	v19 =	vld [tilespmem:s0+$0x0]  }
0x240: {  	[tilespmem:v21+s26+$0x0] =	vst.idx.msk $0xffff, v15;
	v21 =	vadd.s32 v5, v14;
	v15 =	vand.u32 $0x7E, v20;
	v20 =	vmul.f32 $8.000000000e+00, v22;
	v22 =	vld [tilespmem:s8+$0xFFFFFFE0]  }
0x241: {  	[tilespmem:v24+s26+$0x0] =	vst.idx.msk $0xffff, v18;
	v18 =	vadd.s32 v5, v15;
	v24 =	vld [tilespmem:s8+$0x20];
	v26 =	vmul.f32 $8.000000000e+00, v26  }
0x242: {  	v27 =	vmul.f32 $8.000000000e+00, v27;
	[tilespmem:v28+s26+$0x0] =	vst.idx.msk $0xffff, v20;
	v20 =	vld [tilespmem:s8+$0xFFFFFFA0];
	v28 =	vadd.s32 v10, v23  }
0x243: {  	v33 =	vadd.s32 v10, v25;
	v29 =	vmul.f32 $8.000000000e+00, v29;
	v32 =	vld [tilespmem:s0+$0x50];
	[tilespmem:v30+s26+$0x0] =	vst.idx.msk $0xffff, v26  }
0x244: {  	[tilespmem:v31+s26+$0x0] =	vst.idx.msk $0xffff, v27;
	v27 =	vadd.s32 v10, v16;
	v19 =	vmul.f32 $8.000000000e+00, v19;
	v30 =	vld [tilespmem:s8+$0x70]  }
0x245: {  	v31 =	vld [tilespmem:s0+$0xFFFFFF90];
	[tilespmem:v21+s26+$0x0] =	vst.idx.msk $0xffff, v29;
	v29 =	vadd.s32 v9, v13;
	v22 =	vmul.f32 $8.000000000e+00, v22  }
0x246: {  	v35 =	vadd.s32 v11, v17;
	v34 =	vld [tilespmem:s0+$0xFFFFFFD0];
	[tilespmem:v18+s26+$0x0] =	vst.idx.msk $0xffff, v19;
	v18 =	vmul.f32 $8.000000000e+00, v24  }
0x247: {  	v26 =	vadd.s32 v9, v12;
	v21 =	vld [tilespmem:s0+$0x10];
	v17 =	vmul.f32 $8.000000000e+00, v20;
	[tilespmem:v28+s26+$0x0] =	vst.idx.msk $0xffff, v22  }
0x248: {  	s7 =	simm.s32 $0x8;
	v24 =	vadd.s32 v9, v14;
	[tilespmem:v33+s26+$0x0] =	vst.idx.msk $0xffff, v18;
	v22 =	vmul.f32 $8.000000000e+00, v32;
	v20 =	vld [tilespmem:s8+$0xFFFFFFF0]  }
0x249: {  	v28 =	vmov s7;
	v18 =	vadd.s32 v9, v15;
	v19 =	vld [tilespmem:s8+$0x30];
	[tilespmem:v27+s26+$0x0] =	vst.idx.msk $0xffff, v17;
	v63 =	vmul.f32 $8.000000000e+00, v30  }
0x24a: {  	s5 =	simm.s32 $0xC880;
	s29 =	simm.s32 $0xB;
	v23 =	vadd.s32 v11, v23;
	v17 =	vand.u32 $0x7C, v28;
	v28 =	vmul.f32 $8.000000000e+00, v31;
	[tilespmem:v29+s26+$0x0] =	vst.idx.msk $0xffff, v22;
	v22 =	vld [tilespmem:s8+$0xFFFFFFB0]  }
0x24b: {  	v25 =	vadd.s32 v11, v25;
	v30 =	vmov s29;
	v27 =	vld [tilespmem:s5+$0x40];
	s8 =	simm.s32 $0xC;
	v29 =	vmul.f32 $8.000000000e+00, v34;
	[tilespmem:v35+s26+$0x0] =	vst.idx.msk $0xffff, v63  }
.LBB2_15:
0x24c: {  	p0 =	slt.u32 s8, $0x7C;
	s11 =	sadd.s32 $0x1, s7;
	v30 =	vand.u32 $0x7F, v30;
	[tilespmem:v26+s26+$0x0] =	vst.idx.msk $0xffff, v28;
	v21 =	vmul.f32 $8.000000000e+00, v21;
	v26 =	vld [tilespmem:s0+$0x60];
	v28 =	vadd.s32 v11, v16;
	v16 =	vmovc v12  }
0x24d: {  	v12 =	vmovc v17;
	v31 =	vld [tilespmem:s5+$0xFFFFFF80];
	v32 =	vmov s11;
	s11 =	sadd.s32 $0x2, s7;
	v33 =	vadd.s32 v5, v30;
	[tilespmem:v24+s26+$0x0] =	vst.idx.msk $0xffff, v29;
	v20 =	vmul.f32 $8.000000000e+00, v20;
	s7 =	smov.u32 s8  }
0x24e: {  	v17 =	vld [tilespmem:s5+$0xFFFFFFC0];
	v24 =	vmov s11;
	[tilespmem:v18+s26+$0x0] =	vst.idx.msk $0xffff, v21;
	v18 =	vadd.s32 v10, v13;
	v19 =	vmul.f32 $8.000000000e+00, v19  }
0x24f: {  	v21 =	vadd.s32 v5, v12;
	v29 =	vand.u32 $0x7D, v32;
	v32 =	vld [tilespmem:s5+$0x0];
	v22 =	vmul.f32 $8.000000000e+00, v22;
	[tilespmem:v23+s26+$0x0] =	vst.idx.msk $0xffff, v20  }
0x250: {  	v20 =	vadd.s32 v5, v29;
	v34 =	vand.u32 $0x7E, v24;
	v23 =	vmul.f32 $8.000000000e+00, v27;
	v24 =	vld [tilespmem:s0+$0xFFFFFFE0];
	[tilespmem:v25+s26+$0x0] =	vst.idx.msk $0xffff, v19  }
0x251: {  	v19 =	vadd.s32 v5, v34;
	v25 =	vld [tilespmem:s0+$0x20];
	v26 =	vmul.f32 $8.000000000e+00, v26;
	[tilespmem:v28+s26+$0x0] =	vst.idx.msk $0xffff, v22  }
0x252: {  	v27 =	vadd.s32 v10, v14;
	v22 =	vmul.f32 $8.000000000e+00, v31;
	[tilespmem:v33+s26+$0x0] =	vst.idx.msk $0xffff, v23;
	v23 =	vld [tilespmem:s0+$0xFFFFFFA0]  }
0x253: {  	v31 =	vadd.s32 v10, v15;
	v17 =	vmul.f32 $8.000000000e+00, v17;
	v28 =	vld [tilespmem:s5+$0x50];
	[tilespmem:v18+s26+$0x0] =	vst.idx.msk $0xffff, v26  }
0x254: {  	[tilespmem:v21+s26+$0x0] =	vst.idx.msk $0xffff, v22;
	v18 =	vmul.f32 $8.000000000e+00, v32;
	v22 =	vadd.s32 v10, v16;
	v32 =	vld [tilespmem:s0+$0x70]  }
0x255: {  	v35 =	vadd.s32 v9, v30;
	v33 =	vld [tilespmem:s5+$0xFFFFFF90];
	[tilespmem:v20+s26+$0x0] =	vst.idx.msk $0xffff, v17;
	v17 =	vmul.f32 $8.000000000e+00, v24  }
0x256: {  	v37 =	vadd.s32 v11, v13;
	v13 =	vmov v30;
	v36 =	vld [tilespmem:s5+$0xFFFFFFD0];
	[tilespmem:v19+s26+$0x0] =	vst.idx.msk $0xffff, v18;
	v18 =	vmul.f32 $8.000000000e+00, v25  }
.Ltmp6:
0x257: {  	v26 =	vadd.s32 v9, v12;
	v21 =	vld [tilespmem:s5+$0x10];
	v19 =	vmul.f32 $8.000000000e+00, v23;
	[tilespmem:v27+s26+$0x0] =	vst.idx.msk $0xffff, v17;
	(pc) =	sbr.rel @p0 .LBB2_15-.Ltmp6, $4  }
0x258: {  	v24 =	vadd.s32 v9, v29;
	v23 =	vmul.f32 $8.000000000e+00, v28;
	v20 =	vld [tilespmem:s0+$0xFFFFFFF0];
	[tilespmem:v31+s26+$0x0] =	vst.idx.msk $0xffff, v18  }
0x259: {  	v17 =	vmov s8;
	v18 =	vadd.s32 v9, v34;
	[tilespmem:v22+s26+$0x0] =	vst.idx.msk $0xffff, v19;
	v19 =	vld [tilespmem:s0+$0x30];
	v31 =	vmul.f32 $8.000000000e+00, v32  }
0x25a: {  	s11 =	sadd.s32 $0x3, s8;
	v17 =	vand.u32 $0x7C, v17;
	v28 =	vmul.f32 $8.000000000e+00, v33;
	[tilespmem:v35+s26+$0x0] =	vst.idx.msk $0xffff, v23;
	v22 =	vld [tilespmem:s0+$0xFFFFFFB0];
	v23 =	vadd.s32 v11, v14;
	v14 =	vmovc v29;
	s0 =	smov.u32 s5;
	s5 =	sadd.s32 $0x100, s5  }
0x25b: {  	v30 =	vmov s11;
	v25 =	vadd.s32 v11, v15;
	v15 =	vmovc v34;
	s8 =	sadd.s32 $0x4, s8;
	v27 =	vld [tilespmem:s5+$0x40];
	v29 =	vmul.f32 $8.000000000e+00, v36;
	[tilespmem:v37+s26+$0x0] =	vst.idx.msk $0xffff, v31  }
0x25c: {  	s8 =	sadd.s32 $0x1, s7;
	v30 =	vand.u32 $0x7F, v30;
	v36 =	vld [tilespmem:s5+$0xFFFFFF80]  }
0x25d: {  	s11 =	sadd.s32 $0x2, s7;
	v32 =	vld [tilespmem:s5+$0xFFFFFFC0];
	v31 =	vmov s8;
	v33 =	vadd.s32 v5, v30  }
0x25e: {  	v35 =	vld [tilespmem:s5+$0x0];
	v39 =	vadd.s32 v5, v17;
	v34 =	vmov s11;
	v31 =	vand.u32 $0x7D, v31  }
0x25f: {  	v34 =	vand.u32 $0x7E, v34;
	v37 =	vadd.s32 v5, v31  }
0x260: {  	[tilespmem:v26+s26+$0x0] =	vst.idx.msk $0xffff, v28;
	v38 =	vadd.s32 v5, v34;
	v27 =	vmul.f32 $8.000000000e+00, v27  }
0x261: {  	[tilespmem:v24+s26+$0x0] =	vst.idx.msk $0xffff, v29;
	v42 =	vmul.f32 $8.000000000e+00, v36  }
0x262: {  	v40 =	vmul.f32 $8.000000000e+00, v32;
	[tilespmem:v33+s26+$0x0] =	vst.idx.msk $0xffff, v27  }
0x263: {  	v41 =	vmul.f32 $8.000000000e+00, v35;
	v43 =	vld [tilespmem:s5+$0x50];
	[tilespmem:v39+s26+$0x0] =	vst.idx.msk $0xffff, v42  }
0x264: {  	v21 =	vmul.f32 $8.000000000e+00, v21;
	v16 =	vadd.s32 v11, v16;
	[tilespmem:v37+s26+$0x0] =	vst.idx.msk $0xffff, v40;
	v47 =	vld [tilespmem:s5+$0xFFFFFF90]  }
0x265: {  	v20 =	vmul.f32 $8.000000000e+00, v20;
	v45 =	vadd.s32 v9, v30;
	[tilespmem:v38+s26+$0x0] =	vst.idx.msk $0xffff, v41;
	v44 =	vld [tilespmem:s5+$0xFFFFFFD0]  }
0x266: {  	v52 =	vadd.s32 v9, v17;
	[tilespmem:v18+s26+$0x0] =	vst.idx.msk $0xffff, v21;
	v46 =	vmul.f32 $8.000000000e+00, v19;
	v27 =	vld [tilespmem:s5+$0x10]  }
0x267: {  	v49 =	vld [tilespmem:s0+$0x60];
	v48 =	vadd.s32 v9, v31;
	v22 =	vmul.f32 $8.000000000e+00, v22;
	[tilespmem:v23+s26+$0x0] =	vst.idx.msk $0xffff, v20  }
0x268: {  	v51 =	vld [tilespmem:s0+$0xFFFFFFE0];
	v50 =	vadd.s32 v9, v34;
	[tilespmem:v25+s26+$0x0] =	vst.idx.msk $0xffff, v46;
	v24 =	vmul.f32 $8.000000000e+00, v43  }
0x269: {  	v53 =	vadd.s32 v10, v13;
	v54 =	vld [tilespmem:s0+$0x20];
	[tilespmem:v16+s26+$0x0] =	vst.idx.msk $0xffff, v22;
	v19 =	vmul.f32 $8.000000000e+00, v47  }
0x26a: {  	v57 =	vadd.s32 v10, v14;
	v56 =	vld [tilespmem:s0+$0xFFFFFFA0];
	v55 =	vmul.f32 $8.000000000e+00, v44;
	[tilespmem:v45+s26+$0x0] =	vst.idx.msk $0xffff, v24  }
0x26b: {  	v59 =	vadd.s32 v10, v15;
	v58 =	vmul.f32 $8.000000000e+00, v27;
	v60 =	vld [tilespmem:s5+$0x60];
	[tilespmem:v52+s26+$0x0] =	vst.idx.msk $0xffff, v19  }
0x26c: {  	v62 =	vadd.s32 v10, v12;
	v61 =	vmul.f32 $8.000000000e+00, v49;
	[tilespmem:v48+s26+$0x0] =	vst.idx.msk $0xffff, v55;
	v37 =	vld [tilespmem:s5+$0xFFFFFFA0]  }
0x26d: {  	v33 =	vadd.s32 v10, v30;
	v23 =	vmul.f32 $8.000000000e+00, v51;
	[tilespmem:v50+s26+$0x0] =	vst.idx.msk $0xffff, v58;
	v63 =	vld [tilespmem:s5+$0xFFFFFFE0]  }
0x26e: {  	[tilespmem:v53+s26+$0x0] =	vst.idx.msk $0xffff, v61;
	v42 =	vadd.s32 v10, v17;
	v36 =	vmul.f32 $8.000000000e+00, v54;
	v35 =	vld [tilespmem:s5+$0x20]  }
0x26f: {  	v22 =	vmul.f32 $8.000000000e+00, v56;
	v38 =	vadd.s32 v10, v31;
	v39 =	vld [tilespmem:s0+$0x70];
	[tilespmem:v57+s26+$0x0] =	vst.idx.msk $0xffff, v23  }
0x270: {  	v40 =	vadd.s32 v10, v34;
	v29 =	vld [tilespmem:s0+$0xFFFFFFF0];
	[tilespmem:v59+s26+$0x0] =	vst.idx.msk $0xffff, v36;
	v41 =	vmul.f32 $8.000000000e+00, v60  }
0x271: {  	[tilespmem:v62+s26+$0x0] =	vst.idx.msk $0xffff, v22;
	v43 =	vadd.s32 v11, v13;
	v44 =	vld [tilespmem:s0+$0x30];
	v48 =	vmul.f32 $8.000000000e+00, v37  }
0x272: {  	v22 =	vld [tilespmem:s0+$0xFFFFFFB0];
	v45 =	vadd.s32 v11, v14;
	v20 =	vmul.f32 $8.000000000e+00, v63;
	[tilespmem:v33+s26+$0x0] =	vst.idx.msk $0xffff, v41  }
0x273: {  	v47 =	vadd.s32 v11, v15;
	v46 =	vmul.f32 $8.000000000e+00, v35;
	v18 =	vld [tilespmem:s5+$0x70];
	[tilespmem:v42+s26+$0x0] =	vst.idx.msk $0xffff, v48  }
0x274: {  	v49 =	vmul.f32 $8.000000000e+00, v39;
	v50 =	vadd.s32 v11, v12;
	[tilespmem:v38+s26+$0x0] =	vst.idx.msk $0xffff, v20;
	v56 =	vld [tilespmem:s5+$0xFFFFFFB0]  }
0x275: {  	v53 =	vadd.s32 v11, v30;
	v52 =	vmul.f32 $8.000000000e+00, v29;
	[tilespmem:v40+s26+$0x0] =	vst.idx.msk $0xffff, v46;
	v51 =	vld [tilespmem:s5+$0xFFFFFFF0]  }
0x276: {  	[tilespmem:v43+s26+$0x0] =	vst.idx.msk $0xffff, v49;
	v55 =	vmul.f32 $8.000000000e+00, v44;
	v60 =	vadd.s32 v11, v17;
	v54 =	vld [tilespmem:s5+$0x30]  }
0x277: {  	v57 =	vadd.s32 v11, v31;
	v22 =	vmul.f32 $8.000000000e+00, v22;
	[tilespmem:v45+s26+$0x0] =	vst.idx.msk $0xffff, v52  }
0x278: {  	v58 =	vadd.s32 v11, v34;
	[tilespmem:v47+s26+$0x0] =	vst.idx.msk $0xffff, v55;
	v59 =	vmul.f32 $8.000000000e+00, v18  }
0x279: {  	[tilespmem:v50+s26+$0x0] =	vst.idx.msk $0xffff, v22;
	v63 =	vmul.f32 $8.000000000e+00, v56  }
0x27a: {  	s28 =	sshll.u32 s10, $0x12;
	v61 =	vmul.f32 $8.000000000e+00, v51;
	[tilespmem:v53+s26+$0x0] =	vst.idx.msk $0xffff, v59  }
0x27b: {  	s0 =	sor.u32 s6, s28;
	v62 =	vmul.f32 $8.000000000e+00, v54;
	[tilespmem:v60+s26+$0x0] =	vst.idx.msk $0xffff, v63  }
0x27c: {  	s0 =	sshrl.u32 s0, $0x3;
	[tilespmem:v57+s26+$0x0] =	vst.idx.msk $0xffff, v61  }
0x27d: {  	s29 =	simm.s32 $0x14C00;
	s5 =	sadd.s32 s2, s0;
	[tilespmem:v58+s26+$0x0] =	vst.idx.msk $0xffff, v62  }
0x27e: {  	[hbm4b:s5+s3] =	stream.linear.scatter [tilespmem:s29], [sflag:$0x8], $0x80, $0x38;
	[tilespmem:$0x16E00] =	vst v63  }
0x27f: {  	s7 =	simm.s32 $0x14C88;
	s8 =	sadd.s32 $0x10, s5  }
0x280: {  	[hbm4b:s8+s3] =	stream.linear.scatter [tilespmem:s7], [sflag:$0x8], $0x80, $0x38;
	[tilespmem:$0x16E00] =	vst v63  }
0x281: {  	s10 =	simm.s32 $0x14D10;
	s28 =	simm.s32 $0x14D98;
	s11 =	sadd.s32 $0x20, s5  }
0x282: {  	[hbm4b:s11+s3] =	stream.linear.scatter [tilespmem:s10], [sflag:$0x8], $0x80, $0x38;
	[tilespmem:$0x16E00] =	vst v63  }
0x283: {  	s0 =	simm.s32 $0x440;
	s29 =	sadd.s32 $0x30, s5;
	s7 =	simm.s32 $0x14E20  }
0x284: {  	[hbm4b:s29+s3] =	stream.linear.scatter [tilespmem:s28], [sflag:$0x8], $0x80, $0x38;
	[tilespmem:$0x16E00] =	vst v63  }
0x285: {  	s8 =	sadd.s32 $0x40, s5;
	s10 =	simm.s32 $0x14EA8;
	s11 =	sadd.s32 $0x50, s5  }
0x286: {  	[hbm4b:s8+s3] =	stream.linear.scatter [tilespmem:s7], [sflag:$0x8], $0x80, $0x38;
	[tilespmem:$0x16E00] =	vst v63  }
0x287: {  	s28 =	simm.s32 $0x14F30;
	s29 =	sadd.s32 $0x60, s5;
	s7 =	simm.s32 $0x2200  }
0x288: {  	[hbm4b:s11+s3] =	stream.linear.scatter [tilespmem:s10], [sflag:$0x8], $0x80, $0x38;
	[tilespmem:$0x16E00] =	vst v63  }
0x289: {  	s8 =	simm.s32 $0x14FB8;
	s10 =	sadd.s32 $0x70, s5;
	s5 =	sadd.s32 $0x1000, s5  }
0x28a: {  	[hbm4b:s29+s3] =	stream.linear.scatter [tilespmem:s28], [sflag:$0x8], $0x80, $0x38;
	[tilespmem:$0x16E00] =	vst v63  }
.LBB2_17:
0x28b: {  	[hbm4b:s10+s3] =	stream.linear.scatter [tilespmem:s8], [sflag:$0x8], $0x80, $0x38;
	[tilespmem:$0x16E00] =	vst v63  }
0x28c: {  	s8 =	smov.u32 s0;
	s0 =	smov.u32 s7  }
0x28d: {  	s11 =	sadd.s32 $0x1100, s7;
	s0 =	sshra.s32 s0, $0x2;
	s10 =	sadd.s32 $0x14C00, s8  }
0x28e: {  	[hbm4b:s5+s3] =	stream.linear.scatter [tilespmem:s10], [sflag:$0x8], $0x80, $0x38;
	[tilespmem:$0x16E00] =	vst v63  }
0x28f: {  	p0 =	sne.s32 s7, $0x7700;
	s7 =	sadd.s32 $0x14C88, s8;
	s10 =	sadd.s32 $0x10, s5  }
0x290: {  	[hbm4b:s10+s3] =	stream.linear.scatter [tilespmem:s7], [sflag:$0x8], $0x80, $0x38;
	[tilespmem:$0x16E00] =	vst v63  }
0x291: {  	s7 =	sadd.s32 $0x14D10, s8;
	s10 =	sadd.s32 $0x20, s5  }
0x292: {  	[hbm4b:s10+s3] =	stream.linear.scatter [tilespmem:s7], [sflag:$0x8], $0x80, $0x38;
	[tilespmem:$0x16E00] =	vst v63  }
0x293: {  	s7 =	sadd.s32 $0x14D98, s8;
	s10 =	sadd.s32 $0x30, s5  }
0x294: {  	[hbm4b:s10+s3] =	stream.linear.scatter [tilespmem:s7], [sflag:$0x8], $0x80, $0x38;
	[tilespmem:$0x16E00] =	vst v63  }
0x295: {  	s7 =	sadd.s32 $0x14E20, s8;
	s10 =	sadd.s32 $0x40, s5  }
0x296: {  	[hbm4b:s10+s3] =	stream.linear.scatter [tilespmem:s7], [sflag:$0x8], $0x80, $0x38;
	[tilespmem:$0x16E00] =	vst v63  }
.Ltmp7:
0x297: {  	s7 =	sadd.s32 $0x14EA8, s8;
	s10 =	sadd.s32 $0x50, s5;
	(pc) =	sbr.rel @p0 .LBB2_17-.Ltmp7, $4  }
0x298: {  	[hbm4b:s10+s3] =	stream.linear.scatter [tilespmem:s7], [sflag:$0x8], $0x80, $0x38;
	[tilespmem:$0x16E00] =	vst v63  }
0x299: {  	s7 =	sadd.s32 $0x14F30, s8;
	s10 =	sadd.s32 $0x60, s5;
	s8 =	sadd.s32 $0x14FB8, s8  }
0x29a: {  	[hbm4b:s10+s3] =	stream.linear.scatter [tilespmem:s7], [sflag:$0x8], $0x80, $0x38;
	[tilespmem:$0x16E00] =	vst v63  }
0x29b: {  	s10 =	sadd.s32 $0x70, s5;
	s5 =	sadd.s32 $0x1000, s5;
	s7 =	smov.u32 s11  }
0x29c: {  	[hbm4b:s10+s3] =	stream.linear.scatter [tilespmem:s8], [sflag:$0x8], $0x80, $0x38;
	[tilespmem:$0x16E00] =	vst v63  }
0x29d: {  	s7 =	sadd.s32 $0x14C00, s0  }
0x29e: {  	[hbm4b:s5+s3] =	stream.linear.scatter [tilespmem:s7], [sflag:$0x8], $0x80, $0x38;
	[tilespmem:$0x16E00] =	vst v63  }
0x29f: {  	s28 =	sadd.s32 $0x14C88, s0;
	s29 =	sadd.s32 $0x10, s5  }
0x2a0: {  	[hbm4b:s29+s3] =	stream.linear.scatter [tilespmem:s28], [sflag:$0x8], $0x80, $0x38;
	[tilespmem:$0x16E00] =	vst v63  }
0x2a1: {  	s10 =	sadd.s32 $0x14D10, s0;
	s11 =	sadd.s32 $0x20, s5  }
0x2a2: {  	[hbm4b:s11+s3] =	stream.linear.scatter [tilespmem:s10], [sflag:$0x8], $0x80, $0x38;
	[tilespmem:$0x16E00] =	vst v63  }
0x2a3: {  	s28 =	sadd.s32 $0x14D98, s0;
	s29 =	sadd.s32 $0x30, s5  }
0x2a4: {  	[hbm4b:s29+s3] =	stream.linear.scatter [tilespmem:s28], [sflag:$0x8], $0x80, $0x38;
	[tilespmem:$0x16E00] =	vst v63  }
0x2a5: {  	s1 =	sadd.s32 $0x1, s1;
	s10 =	sadd.s32 $0x14E20, s0;
	s11 =	sadd.s32 $0x40, s5  }
0x2a6: {  	[hbm4b:s11+s3] =	stream.linear.scatter [tilespmem:s10], [sflag:$0x8], $0x80, $0x38;
	[tilespmem:$0x16E00] =	vst v63  }
0x2a7: {  	p0 =	sne.s32 s1, $0x32;
	s28 =	sadd.s32 $0x14EA8, s0;
	s29 =	sadd.s32 $0x50, s5  }
0x2a8: {  	[hbm4b:s29+s3] =	stream.linear.scatter [tilespmem:s28], [sflag:$0x8], $0x80, $0x38;
	[tilespmem:$0x16E00] =	vst v63  }
.Ltmp8:
0x2a9: {  	_ = 	snop;
	(pc) =	sbr.rel @p0 .LBB2_2-.Ltmp8, $4  }
0x2aa: {  	s10 =	sadd.s32 $0x14F30, s0;
	s11 =	sadd.s32 $0x60, s5  }
0x2ab: {  	[hbm4b:s11+s3] =	stream.linear.scatter [tilespmem:s10], [sflag:$0x8], $0x80, $0x38;
	[tilespmem:$0x16E00] =	vst v63  }
0x2ac: {  	s28 =	sadd.s32 $0x14FB8, s0;
	s29 =	sadd.s32 $0x70, s5  }
0x2ad: {  	[hbm4b:s29+s3] =	stream.linear.scatter [tilespmem:s28], [sflag:$0x8], $0x80, $0x38;
	[tilespmem:$0x16E00] =	vst v63  }
0x2ae: {  	s0 =	simm.s32 $0x8  }
0x2af: {  	_ =	swait.ge [sflag:s0], $0x2000  }
0x2b0: {  	[sflag:s0] =	ssyncset.done $0x0  }
0x2b1: {  	s28 =	simm.s32 $0x7;
	[sflag:s0] =	ssyncadd.s32 $0xFFFFE000  }
0x2b2: {  	_ =	swait.ge [sflag:s28], $0x2000  }
0x2b3: {  	[sflag:s28] =	ssyncset.done $0x0  }
0x2b4: {  	[sflag:s28] =	ssyncadd.s32 $0xFFFFE000  }
0x2b5: {  	_ =	swait.ge [sflag:s30], $0x2000  }
0x2b6: {  	s31 =	sadd.s32 $0x1, s31;
	s29 =	rddreg [dreg:$0x4]  }
0x2b7: {  	p0 =	sne.s32 s31, s29  }
.Ltmp9:
0x2b8: {  	_ = 	snop;
	(pc) =	sbr.rel @p0 .LBB2_1-.Ltmp9, $3  }
0x2b9: {  	_ =	sdelay $0x1  }
0x2ba: {  	[sflag:s30] =	ssyncset.done $0x0  }
0x2bb: {  	[sflag:s30] =	ssyncadd.s32 $0xFFFFE000  }
0x2bc: {  	_ =	sfence.sel $0x180000  }
0x2bd: {  	[bflag:$0x0] =	sbarrier.arrive $0xFFFF  }
0x2be: {  	_ =	strace $0x90000047  }
0x2bf: {  	s0 =	stileid.u32;
	[bflag:$0x2] =	sbarrier.arrive $0xFFFF  }
0x2c0: {  	p0 =	sne.s32 s0, $0x0;
	s0 =	rddreg [dreg:$0x2]  }
0x2c1: {  	s0 =	sadd.s32 @!p0 $0x100000, s0  }
0x2c2: {  	[sflag:s0] =	ssyncadd.tile.s32 @!p0 $0x1;
	_ =	shalt  }
.Lfunc_end2:
_tile_overlayer_lowered:
.L_overlay_start_2:
0x2c3: {  	(tag) =	ssettag $0x2  }
0x2c4: {  	s0 =	rddreg [dreg:$0x0];
	s2 =	stileid.u32  }
0x2c5: {  	s1 =	rddreg [dreg:$0x1];
	p0 =	sne.s32 s2, $0x0  }
0x2c6: {  	s3 =	rddreg [dreg:$0x2];
	[bflag:$0x3] =	sbarrier.arrive $0xFFFF;
	s2 =	simm.s32 @!p0 $0x1C09  }
0x2c7: {  	[timem:s3], [sflag:s2] =	dma.local @!p0 [hbm:s0], s1  }
0x2c8: {  	s0 =	simm.s32 @!p0 $0x9  }
0x2c9: {  	_ =	swait.ge @!p0 [sflag:s0], s1  }
0x2ca: {  	s1 =	ssub.s32 @!p0 $0x0, s1;
	[sflag:s0] =	ssyncset.done @!p0 $0x0  }
0x2cb: {  	[sflag:s0] =	ssyncadd.s32 @!p0 s1  }
0x2cc: {  	[bflag:$0x3] =	sbarrier.arrive $0xFFFF  }
0x2cd: {  	_ =	shalt  }

</sc_bundles>
